<compile_context>
chip_gen: v7x
topology: tpu7x:2x2x1
jax: 0.10.2.dev20260603
libtpu: 0.0.44.dev20260713+nightly
codegen_flags: <defaults>
</compile_context>

<pallas_src>
import functools

import jax
import jax.numpy as jnp
from jax import lax
from jax.experimental import pallas as pl
from jax.experimental.pallas import tpu as pltpu
from jax.experimental.pallas import tpu_sc as plsc

B = 4
N1 = 2048
N2 = 512
DD = 128
DS = 256
HID = 256
DO = 256
KI = 8
KN = 16
NP = B * N1
NPK = NP * KN
EPS = 1e-5
_INF = float("inf")

_NC = 2
_NS = 16
_NW = _NC * _NS
_GC = 128


def _bspec(shape, imap):
    return pl.BlockSpec(shape, imap)


def _f32_bits(x):
    return lax.bitcast_convert_type(x, jnp.int32)


def _dot_x3(qa, ka):
    dims = (((0,), (0,)), ((), ()))
    qh = qa.astype(jnp.bfloat16)
    kh = ka.astype(jnp.bfloat16)
    ql = (qa - qh.astype(jnp.float32)).astype(jnp.bfloat16)
    kl = (ka - kh.astype(jnp.float32)).astype(jnp.bfloat16)
    t = lax.dot_general(qh, kh, dims, preferred_element_type=jnp.float32)
    t += lax.dot_general(qh, kl, dims, preferred_element_type=jnp.float32)
    t += lax.dot_general(ql, kh, dims, preferred_element_type=jnp.float32)
    return t


def _rne_top(x):
    u = _f32_bits(x)
    r = u + jnp.int32(0x7FFF) + ((u >> 16) & 1)
    return jnp.bitwise_and(r, jnp.int32(-65536))


def _pack_pair(hi, lo):
    return jnp.bitwise_or(_rne_top(hi),
                          lax.shift_right_logical(_rne_top(lo), 16))


def _unpack_lo(u):
    return lax.bitcast_convert_type(lax.shift_left(u, 16), jnp.float32)


def _unpack_hi(u):
    return lax.bitcast_convert_type(jnp.bitwise_and(u, jnp.int32(-65536)),
                                    jnp.float32)


def _k_dense_mm(x1, Wd, bd):
    R = 512
    nt = NP // R

    def body(x_ref, w_ref, b_ref, y_ref, st_ref):
        y = jnp.dot(x_ref[...], w_ref[...],
                    preferred_element_type=jnp.float32) + b_ref[...]
        y_ref[...] = y
        s = jnp.sum(y, axis=0, keepdims=True)
        ss = jnp.sum(y * y, axis=0, keepdims=True)
        upd = jnp.concatenate([s, ss, jnp.zeros((6, DS), jnp.float32)], axis=0)

        @pl.when(pl.program_id(0) == 0)
        def _():
            st_ref[...] = upd

        @pl.when(pl.program_id(0) != 0)
        def _():
            st_ref[...] += upd

    return pl.pallas_call(
        body,
        grid=(nt,),
        in_specs=[_bspec((R, DD), lambda i: (i, 0)),
                  _bspec((DD, DS), lambda i: (0, 0)),
                  _bspec((1, DS), lambda i: (0, 0))],
        out_specs=[_bspec((R, DS), lambda i: (i, 0)),
                   _bspec((8, DS), lambda i: (0, 0))],
        out_shape=[jax.ShapeDtypeStruct((NP, DS), jnp.float32),
                   jax.ShapeDtypeStruct((8, DS), jnp.float32)],
    )(x1, Wd, bd.reshape(1, DS))


def _k_interp(p1T, p2T, x2):
    T = 256
    nt = N1 // T

    def body(pq_ref, pk_ref, x2_ref, o_ref):
        pq = pq_ref[...]
        pk = pk_ref[...]
        n1 = jnp.sum(pq * pq, axis=0, keepdims=True)
        n2 = jnp.sum(pk * pk, axis=0, keepdims=True)
        one_q = jnp.ones((1, T), jnp.float32)
        one_k = jnp.ones((1, N2), jnp.float32)
        pqa = jnp.concatenate([pq, n1, one_q], axis=0)
        pka = jnp.concatenate([-2.0 * pk, one_k, n2], axis=0)
        d2 = _dot_x3(pqa, pka)
        dist = jnp.sqrt(jnp.maximum(d2, 0.0) + 1e-12)
        dd = dist
        for _ in range(KI - 1):
            m = jnp.min(dd, axis=1, keepdims=True)
            dd = jnp.where(dd == m, _INF, dd)
        t8 = jnp.min(dd, axis=1, keepdims=True)
        w = jnp.where(dist <= t8, 1.0 / (dist + 1e-8), 0.0)
        w = w / jnp.sum(w, axis=1, keepdims=True)
        o_ref[...] = jnp.dot(w, x2_ref[...],
                             preferred_element_type=jnp.float32)

    return pl.pallas_call(
        body,
        grid=(B, nt),
        in_specs=[_bspec((3, T), lambda b, t: (0, b * nt + t)),
                  _bspec((3, N2), lambda b, t: (0, b)),
                  _bspec((N2, DS), lambda b, t: (b, 0))],
        out_specs=_bspec((T, DS), lambda b, t: (b * nt + t, 0)),
        out_shape=jax.ShapeDtypeStruct((NP, DS), jnp.float32),
    )(p1T, p2T, x2)


def _k_knn(p1T):
    T = 256
    nt = N1 // T

    def body(pq_ref, pa_ref, o_ref):
        pq = pq_ref[...]
        pa = pa_ref[...]
        n1 = jnp.sum(pq * pq, axis=0, keepdims=True)
        na = jnp.sum(pa * pa, axis=0, keepdims=True)
        pqa = jnp.concatenate([pq, n1, jnp.ones((1, T), jnp.float32)], axis=0)
        paa = jnp.concatenate([-2.0 * pa, jnp.ones((1, N1), jnp.float32), na],
                              axis=0)
        d2 = _dot_x3(pqa, paa)
        iota = lax.broadcasted_iota(jnp.int32, (T, N1), 1).astype(jnp.float32)
        kiota = lax.broadcasted_iota(jnp.int32, (T, KN), 1).astype(jnp.float32)
        acc = jnp.zeros((T, KN), jnp.float32)
        dd = d2
        for k in range(KN):
            m = jnp.min(dd, axis=1, keepdims=True)
            hit = dd == m
            ind = jnp.min(jnp.where(hit, iota, _INF), axis=1, keepdims=True)
            acc = acc + jnp.where(kiota == jnp.float32(k), ind, 0.0)
            dd = jnp.where(hit, _INF, dd)
        o_ref[...] = acc.astype(jnp.int32) + pl.program_id(0) * N1

    return pl.pallas_call(
        body,
        grid=(B, nt),
        in_specs=[_bspec((3, T), lambda b, t: (0, b * nt + t)),
                  _bspec((3, N1), lambda b, t: (0, b))],
        out_specs=_bspec((T, KN), lambda b, t: (b * nt + t, 0)),
        out_shape=jax.ShapeDtypeStruct((NP, KN), jnp.int32),
    )(p1T, p1T)


def _k_derived(y1, st1, g_d, be_d, x_r, Wq, Wk, Wv, W_a1, b_a1):
    R = 512
    nt = NP // R

    def body(y_ref, st_ref, g_ref, be_ref, xr_ref, wq_ref, wk_ref, wv_ref,
             wa1_ref, ba1_ref, a_ref, t2_ref):
        st = st_ref[...]
        mu = st[0:1, :] / NP
        var = st[1:2, :] / NP - mu * mu
        inv = lax.rsqrt(var + EPS)
        xe = jnp.maximum((y_ref[...] - mu) * inv * g_ref[...] + be_ref[...],
                         0.0)
        xr = xr_ref[...]
        q = jnp.dot(xe, wq_ref[...], preferred_element_type=jnp.float32)
        a = jnp.dot(q, wa1_ref[...],
                    preferred_element_type=jnp.float32) + ba1_ref[...]
        kk = jnp.dot(xr, wk_ref[...], preferred_element_type=jnp.float32)
        c = jnp.dot(xe - kk, wa1_ref[...], preferred_element_type=jnp.float32)
        w = jnp.dot(xr, wv_ref[...], preferred_element_type=jnp.float32) + xe
        a_ref[...] = a
        t2_ref[...] = _pack_pair(w, c)

    return pl.pallas_call(
        body,
        grid=(nt,),
        in_specs=[_bspec((R, DS), lambda i: (i, 0)),
                  _bspec((8, DS), lambda i: (0, 0)),
                  _bspec((1, DS), lambda i: (0, 0)),
                  _bspec((1, DS), lambda i: (0, 0)),
                  _bspec((R, DS), lambda i: (i, 0)),
                  _bspec((DS, DS), lambda i: (0, 0)),
                  _bspec((DS, DS), lambda i: (0, 0)),
                  _bspec((DS, DS), lambda i: (0, 0)),
                  _bspec((DS, HID), lambda i: (0, 0)),
                  _bspec((1, HID), lambda i: (0, 0))],
        out_specs=[_bspec((R, HID), lambda i: (i, 0)),
                   _bspec((R, DS), lambda i: (i, 0))],
        out_shape=[jax.ShapeDtypeStruct((NP, HID), jnp.float32),
                   jax.ShapeDtypeStruct((NP, DS), jnp.int32)],
    )(y1, st1, g_d.reshape(1, DS), be_d.reshape(1, DS), x_r, Wq, Wk, Wv,
      W_a1, b_a1.reshape(1, HID))


def _sc_gather(table, idx):
    rows_per_w = NPK // _NW
    GC = 64
    NBUF = 4
    outer = rows_per_w // (GC * NBUF)
    mesh = plsc.VectorSubcoreMesh(core_axis_name="c", subcore_axis_name="s")

    @functools.partial(
        pl.kernel, mesh=mesh,
        out_type=jax.ShapeDtypeStruct((NPK, DS), jnp.int32),
        scratch_types=[pltpu.VMEM((rows_per_w,), jnp.int32)]
                      + [pltpu.VMEM((GC, DS), jnp.int32) for _ in range(NBUF)]
                      + [pltpu.SemaphoreType.DMA for _ in range(2 * NBUF)],
    )
    def gk(table_hbm, idx_hbm, out_hbm, idx_v, r0, r1, r2, r3,
           g0, g1, g2, g3, w0, w1, w2, w3):
        rs = (r0, r1, r2, r3)
        gs = (g0, g1, g2, g3)
        ws = (w0, w1, w2, w3)
        wid = lax.axis_index("s") * _NC + lax.axis_index("c")
        base = wid * rows_per_w
        pltpu.sync_copy(idx_hbm.at[pl.ds(base, rows_per_w)], idx_v)

        def _drain(sem, buf):
            pltpu.make_async_copy(out_hbm.at[pl.ds(0, GC)], buf, sem).wait()

        def body(j, carry):
            for b in range(NBUF):
                @pl.when(j > 0)
                def _(b=b):
                    _drain(ws[b], rs[b])
                pltpu.async_copy(
                    table_hbm.at[idx_v.at[pl.ds((j * NBUF + b) * GC, GC)]],
                    rs[b], gs[b])
            for b in range(NBUF):
                _drain(gs[b], rs[b])
                pltpu.async_copy(
                    rs[b],
                    out_hbm.at[pl.ds(base + (j * NBUF + b) * GC, GC)], ws[b])
            return carry

        lax.fori_loop(0, outer, body, 0)
        for b in range(NBUF):
            _drain(ws[b], rs[b])

    return gk(table, idx)


def _k_pair_stats(G, a):
    P = 128
    nt = NP // P

    def body(g_ref, a_ref, st_ref):
        c3 = _unpack_lo(g_ref[...]).reshape(P, KN, HID)
        z = (c3 + a_ref[...][:, None, :]).reshape(P * KN, HID)
        ones = jnp.ones((8, P * KN), jnp.float32)
        s = jnp.dot(ones, z, preferred_element_type=jnp.float32)
        ss = jnp.dot(ones, z * z, preferred_element_type=jnp.float32)
        upd = jnp.concatenate([s, ss], axis=0)

        @pl.when(pl.program_id(0) == 0)
        def _():
            st_ref[...] = upd

        @pl.when(pl.program_id(0) != 0)
        def _():
            st_ref[...] += upd

    return pl.pallas_call(
        body,
        grid=(nt,),
        in_specs=[_bspec((P * KN, HID), lambda i: (i, 0)),
                  _bspec((P, HID), lambda i: (i, 0))],
        out_specs=_bspec((16, HID), lambda i: (0, 0)),
        out_shape=jax.ShapeDtypeStruct((16, HID), jnp.float32),
    )(G, a)


def _k_attn(G, a, st2, g_a1, be_a1, W_a2, b_a2):
    P = 128
    nt = NP // P

    def body(g_ref, a_ref, st_ref, ga_ref, bea_ref, wa2_ref, ba2_ref, o_ref):
        Gt = g_ref[...]
        st = st_ref[...]
        mu = jnp.sum(st[0:8, :], axis=0, keepdims=True) / (8.0 * NPK)
        var = jnp.sum(st[8:16, :], axis=0, keepdims=True) / (8.0 * NPK) - mu * mu
        invg = lax.rsqrt(var + EPS) * ga_ref[...]
        A = (a_ref[...] - mu) * invg + bea_ref[...]
        cs = _unpack_lo(Gt).reshape(P, KN, HID) * invg.reshape(1, 1, HID)
        w3 = _unpack_hi(Gt).reshape(P, KN, DS)
        h = jnp.maximum(cs + A[:, None, :], 0.0)
        sim = jnp.dot(h.reshape(P * KN, HID).astype(jnp.bfloat16),
                      wa2_ref[...].astype(jnp.bfloat16),
                      preferred_element_type=jnp.float32) + ba2_ref[...]
        e = jnp.exp(sim.reshape(P, KN, DS))
        rec = 1.0 / jnp.sum(e, axis=1, keepdims=True)
        o_ref[...] = jnp.sum(e * w3, axis=1) * rec.reshape(P, DS)

    return pl.pallas_call(
        body,
        grid=(nt,),
        in_specs=[_bspec((P * KN, DS), lambda i: (i, 0)),
                  _bspec((P, HID), lambda i: (i, 0)),
                  _bspec((16, HID), lambda i: (0, 0)),
                  _bspec((1, HID), lambda i: (0, 0)),
                  _bspec((1, HID), lambda i: (0, 0)),
                  _bspec((HID, DS), lambda i: (0, 0)),
                  _bspec((1, DS), lambda i: (0, 0))],
        out_specs=_bspec((P, DS), lambda i: (i, 0)),
        out_shape=jax.ShapeDtypeStruct((NP, DS), jnp.float32),
    )(G, a, st2, g_a1.reshape(1, HID), be_a1.reshape(1, HID), W_a2,
      b_a2.reshape(1, DS))


def _k_mlp(agg, x1, Wt, Wb, bm):
    R = 512
    nt = NP // R

    def body(ag_ref, x1_ref, wt_ref, wb_ref, b_ref, y_ref, st_ref):
        y = (jnp.dot(ag_ref[...], wt_ref[...],
                     preferred_element_type=jnp.float32)
             + jnp.dot(x1_ref[...], wb_ref[...],
                       preferred_element_type=jnp.float32) + b_ref[...])
        y_ref[...] = y
        s = jnp.sum(y, axis=0, keepdims=True)
        ss = jnp.sum(y * y, axis=0, keepdims=True)
        upd = jnp.concatenate([s, ss, jnp.zeros((6, DO), jnp.float32)], axis=0)

        @pl.when(pl.program_id(0) == 0)
        def _():
            st_ref[...] = upd

        @pl.when(pl.program_id(0) != 0)
        def _():
            st_ref[...] += upd

    return pl.pallas_call(
        body,
        grid=(nt,),
        in_specs=[_bspec((R, DS), lambda i: (i, 0)),
                  _bspec((R, DD), lambda i: (i, 0)),
                  _bspec((DS, DO), lambda i: (0, 0)),
                  _bspec((DD, DO), lambda i: (0, 0)),
                  _bspec((1, DO), lambda i: (0, 0))],
        out_specs=[_bspec((R, DO), lambda i: (i, 0)),
                   _bspec((8, DO), lambda i: (0, 0))],
        out_shape=[jax.ShapeDtypeStruct((NP, DO), jnp.float32),
                   jax.ShapeDtypeStruct((8, DO), jnp.float32)],
    )(agg, x1, Wt, Wb, bm.reshape(1, DO))


def _k_norm(y2, st3, g_m, be_m):
    R = 512
    nt = NP // R

    def body(y_ref, st_ref, g_ref, be_ref, o_ref):
        st = st_ref[...]
        mu = st[0:1, :] / NP
        var = st[1:2, :] / NP - mu * mu
        inv = lax.rsqrt(var + EPS)
        o_ref[...] = jnp.maximum(
            (y_ref[...] - mu) * inv * g_ref[...] + be_ref[...], 0.0)

    return pl.pallas_call(
        body,
        grid=(nt,),
        in_specs=[_bspec((R, DO), lambda i: (i, 0)),
                  _bspec((8, DO), lambda i: (0, 0)),
                  _bspec((1, DO), lambda i: (0, 0)),
                  _bspec((1, DO), lambda i: (0, 0))],
        out_specs=_bspec((R, DO), lambda i: (i, 0)),
        out_shape=jax.ShapeDtypeStruct((NP, DO), jnp.float32),
    )(y2, st3, g_m.reshape(1, DO), be_m.reshape(1, DO))


def kernel(p1, x1, o1, p2, x2, o2, batch_size, W_dense, b_dense, g_dense,
           be_dense, Wq, Wk, Wv, W_a1, b_a1, g_a1, be_a1, W_a2, b_a2, W_mlp,
           b_mlp, g_mlp, be_mlp):
    p1T = p1.T
    p2T = p2.T

    y1, st1 = _k_dense_mm(x1, W_dense, b_dense)
    x_r = _k_interp(p1T, p2T, x2)
    idxg = _k_knn(p1T)
    a, T2 = _k_derived(y1, st1, g_dense, be_dense, x_r, Wq, Wk, Wv, W_a1,
                       b_a1)
    G = _sc_gather(T2, idxg.reshape(-1))
    st2 = _k_pair_stats(G, a)
    agg = _k_attn(G, a, st2, g_a1, be_a1, W_a2, b_a2)
    y2, st3 = _k_mlp(agg, x1, W_mlp[:DS], W_mlp[DS:], b_mlp)
    x = _k_norm(y2, st3, g_mlp, be_mlp)
    return (p1, x, o1)

# --- scband reference (transcript-rebuilt; emitter-appended) ---
"""Pipeline reference for scband-upsampling-7705171329302 (READ-ONLY COPY).

The authoritative reference and input builder live on the scoring server;
editing this copy changes nothing except your own understanding.
"""

import jax, jax.numpy as jnp
import numpy as np

B = 4
N1 = 2048
N2 = 512
D_DENSE = 128
D_SPARSE = 256
D_OUT = 256
HID = 256
K_INTERP = 8
K_NEIGH = 16


def _bn(x, g, b, eps=1e-5):
    m = jnp.mean(x, axis=0)
    v = jnp.mean((x - m) ** 2, axis=0)
    return (x - m) / jnp.sqrt(v + eps) * g + b


def _gather(values, idx):
    # batched_index_select(values (B,N,C), idx (B,M,K), dim=1) -> (B,M,K,C)
    return jax.vmap(lambda f, i: f[i])(values, idx)


def _knn_interp(p2, p1, x2):
    # pointops.interpolation: k=8 inverse-distance weighted knn interpolation, per batch
    p1b = p1.reshape(B, N1, 3)
    p2b = p2.reshape(B, N2, 3)
    x2b = x2.reshape(B, N2, -1)
    d2 = jnp.sum((p1b[:, :, None, :] - p2b[:, None, :, :]) ** 2, axis=-1)
    dist = jnp.sqrt(d2 + 1e-12)
    negd, idx = jax.lax.top_k(-dist, K_INTERP)
    d = -negd
    recip = 1.0 / (d + 1e-8)
    w = recip / jnp.sum(recip, axis=-1, keepdims=True)
    feats = _gather(x2b, idx)
    out = jnp.sum(feats * w[..., None], axis=2)
    return out.reshape(B * N1, -1)


def _forward(p1, x1, p2, x2, W_dense, b_dense, g_dense, be_dense, Wq, Wk, Wv, W_a1, b_a1, g_a1, be_a1, W_a2, b_a2, W_mlp, b_mlp, g_mlp, be_mlp, batch_size):
    bs = B
    num_points = p1.shape[0] // bs
    x1_dense = jax.nn.relu(_bn(x1 @ W_dense + b_dense, g_dense, be_dense))
    x2_interp = _knn_interp(p2, p1, x2)
    x_e = x1_dense.reshape(bs, num_points, -1)
    x_r = x2_interp.reshape(bs, num_points, -1)
    pos = p1.reshape(bs, num_points, -1)
    q = x_e @ Wq
    kk = x_r @ Wk
    vv = x_r @ Wv
    rel = pos[:, :, None, :] - pos[:, None, :, :]
    rel_dist = jnp.sqrt(jnp.sum(rel ** 2, axis=-1) + 1e-12)
    negd, idx = jax.lax.top_k(-rel_dist, K_NEIGH)
    v_g = _gather(vv, idx)
    k_g = _gather(kk, idx)
    xe_g = _gather(x_e, idx)
    qk_rel = q[:, :, None, :] - k_g
    v_g = v_g + xe_g
    Bn, Nn, Kn, C = qk_rel.shape
    h = (qk_rel + xe_g).reshape(Bn * Nn * Kn, C)
    h = jax.nn.relu(_bn(h @ W_a1 + b_a1, g_a1, be_a1))
    sim = (h @ W_a2 + b_a2).reshape(Bn, Nn, Kn, C)
    attn = jax.nn.softmax(sim, axis=-2)
    agg = jnp.sum(attn * v_g, axis=2)
    x1_enh = agg.reshape(bs * num_points, -1)
    x = jax.nn.relu(_bn(jnp.concatenate([x1_enh, x1], axis=-1) @ W_mlp + b_mlp, g_mlp, be_mlp))
    x = x + jnp.asarray(batch_size - batch_size).astype(x.dtype)
    return x


def setup_inputs(seed: int = 0):
    key = jax.random.key(seed)
    ks = [jax.random.fold_in(key, i) for i in range(16)]
    s = 0.05
    inp = {}
    inp["p1"] = jax.random.normal(ks[0], (B * N1, 3), dtype=jnp.float32)
    inp["x1"] = jax.random.normal(ks[1], (B * N1, D_DENSE), dtype=jnp.float32)
    inp["o1"] = (jnp.arange(B, dtype=jnp.int32) + 1) * N1
    inp["p2"] = jax.random.normal(ks[2], (B * N2, 3), dtype=jnp.float32)
    inp["x2"] = jax.random.normal(ks[3], (B * N2, D_SPARSE), dtype=jnp.float32)
    inp["o2"] = (jnp.arange(B, dtype=jnp.int32) + 1) * N2
    inp["batch_size"] = 4
    inp["W_dense"] = jax.random.normal(ks[4], (D_DENSE, D_SPARSE), dtype=jnp.float32) * s
    inp["b_dense"] = jnp.zeros((D_SPARSE,), dtype=jnp.float32)
    inp["g_dense"] = jnp.ones((D_SPARSE,), dtype=jnp.float32)
    inp["be_dense"] = jnp.zeros((D_SPARSE,), dtype=jnp.float32)
    inp["Wq"] = jax.random.normal(ks[5], (D_SPARSE, D_SPARSE), dtype=jnp.float32) * s
    inp["Wk"] = jax.random.normal(ks[6], (D_SPARSE, D_SPARSE), dtype=jnp.float32) * s
    inp["Wv"] = jax.random.normal(ks[7], (D_SPARSE, D_SPARSE), dtype=jnp.float32) * s
    inp["W_a1"] = jax.random.normal(ks[8], (D_SPARSE, HID), dtype=jnp.float32) * s
    inp["b_a1"] = jnp.zeros((HID,), dtype=jnp.float32)
    inp["g_a1"] = jnp.ones((HID,), dtype=jnp.float32)
    inp["be_a1"] = jnp.zeros((HID,), dtype=jnp.float32)
    inp["W_a2"] = jax.random.normal(ks[9], (HID, D_SPARSE), dtype=jnp.float32) * s
    inp["b_a2"] = jnp.zeros((D_SPARSE,), dtype=jnp.float32)
    inp["W_mlp"] = jax.random.normal(ks[10], (D_SPARSE + D_DENSE, D_OUT), dtype=jnp.float32) * s
    inp["b_mlp"] = jnp.zeros((D_OUT,), dtype=jnp.float32)
    inp["g_mlp"] = jnp.ones((D_OUT,), dtype=jnp.float32)
    inp["be_mlp"] = jnp.zeros((D_OUT,), dtype=jnp.float32)
    return inp


def reference(p1, x1, o1, p2, x2, o2, batch_size, W_dense, b_dense, g_dense, be_dense, Wq, Wk, Wv, W_a1, b_a1, g_a1, be_a1, W_a2, b_a2, W_mlp, b_mlp, g_mlp, be_mlp):
    x = _forward(p1, x1, p2, x2, W_dense, b_dense, g_dense, be_dense, Wq, Wk, Wv, W_a1, b_a1, g_a1, be_a1, W_a2, b_a2, W_mlp, b_mlp, g_mlp, be_mlp, batch_size)
    return (p1, x, o1)

if __name__ == "__main__":
    import jax
    _d = setup_inputs()
    print(jax.jit(kernel)(*tuple(_d.values())))

</pallas_src>

<mosaic_0001>
#map = affine_map<(d0, d1) -> (0, 0)>
#map1 = affine_map<(d0, d1) -> (0)>
module attributes {stable_mosaic.version = 14 : i64} {
  func.func @gk(%arg0: i32, %arg1: i32, %arg2: memref<8192x256xi32, #tpu.memory_space<hbm>>, %arg3: memref<131072xi32, #tpu.memory_space<hbm>>, %arg4: memref<131072x256xi32, #tpu.memory_space<hbm>>, %arg5: memref<4096xi32, #tpu.memory_space<vmem>>, %arg6: memref<64x256xi32, #tpu.memory_space<vmem>>, %arg7: memref<64x256xi32, #tpu.memory_space<vmem>>, %arg8: memref<64x256xi32, #tpu.memory_space<vmem>>, %arg9: memref<64x256xi32, #tpu.memory_space<vmem>>, %arg10: memref<!tpu.dma_semaphore, #tpu.memory_space<semaphore_mem>>, %arg11: memref<!tpu.dma_semaphore, #tpu.memory_space<semaphore_mem>>, %arg12: memref<!tpu.dma_semaphore, #tpu.memory_space<semaphore_mem>>, %arg13: memref<!tpu.dma_semaphore, #tpu.memory_space<semaphore_mem>>, %arg14: memref<!tpu.dma_semaphore, #tpu.memory_space<semaphore_mem>>, %arg15: memref<!tpu.dma_semaphore, #tpu.memory_space<semaphore_mem>>, %arg16: memref<!tpu.dma_semaphore, #tpu.memory_space<semaphore_mem>>, %arg17: memref<!tpu.dma_semaphore, #tpu.memory_space<semaphore_mem>>) attributes {dimension_semantics = [#tpu.dimension_semantics<core_parallel>, #tpu.dimension_semantics<subcore_parallel>], iteration_bounds = array<i64: 2, 16>, scalar_prefetch = 0 : i64, scratch_operands = 13 : i64, tpu.core_type = #tpu.core_type<sc_vector_subcore>, window_params = [{transform_indices = #map}, {transform_indices = #map1}, {transform_indices = #map}]} {
    %mul3A = arith.constant 2 : i32
    %mul3A_0 = arith.muli %arg1, %mul3A : i32
    %add3A = arith.addi %mul3A_0, %arg0 : i32
    %mul3A_1 = arith.constant 4096 : i32
    %mul3A_2 = arith.muli %add3A, %mul3A_1 : i32
    "tpu.region"() ({
      %run_scoped3A = tpu.sem_alloc : memref<!tpu.dma_semaphore, #tpu.memory_space<semaphore_mem>>
      %dma_start3A = tpu.memref_slice %arg3[%mul3A_2] : memref<131072xi32, #tpu.memory_space<hbm>> -> memref<4096xi32, #tpu.memory_space<hbm>>
      %dma_start3A_31 = tpu.memref_slice %arg3[%mul3A_2] : memref<131072xi32, #tpu.memory_space<hbm>> -> memref<4096xi32, #tpu.memory_space<hbm>>
      tpu.enqueue_dma source(%dma_start3A_31 : memref<4096xi32, #tpu.memory_space<hbm>>) target(%arg5 : memref<4096xi32, #tpu.memory_space<vmem>>) target_semaphore(%run_scoped3A : memref<!tpu.dma_semaphore, #tpu.memory_space<semaphore_mem>>)
      %dma_wait3A_32 = tpu.memref_slice %arg3[%mul3A_2] : memref<131072xi32, #tpu.memory_space<hbm>> -> memref<4096xi32, #tpu.memory_space<hbm>>
      %dma_wait3A_33 = tpu.memref_slice %arg3[%mul3A_2] : memref<131072xi32, #tpu.memory_space<hbm>> -> memref<4096xi32, #tpu.memory_space<hbm>>
      tpu.wait_dma2 semaphore(%run_scoped3A : memref<!tpu.dma_semaphore, #tpu.memory_space<semaphore_mem>>) src(%dma_wait3A_33 : memref<4096xi32, #tpu.memory_space<hbm>>) dst(%arg5 : memref<4096xi32, #tpu.memory_space<vmem>>)
      tpu.yield
    }) : () -> ()
    %scan3A = arith.constant 0 : i32
    %scan3A_3 = arith.constant 0 : i32
    %scan3A_4 = arith.constant 16 : i32
    %scan3A_5 = arith.addi %scan3A_3, %scan3A_4 : i32
    %scan3A_6 = arith.constant 1 : i32
    scf.for %scan3A_31 = %scan3A_3 to %scan3A_5 step %scan3A_6  : i32 {
      %gt3A = arith.constant 0 : i32
      %gt3A_32 = arith.cmpi sgt, %scan3A_31, %gt3A : i32
      %convert_element_type3A = arith.extui %gt3A_32 : i1 to i32
      %cond3A = arith.constant 0 : i32
      %cond3A_33 = arith.cmpi ne, %convert_element_type3A, %cond3A : i32
      scf.if %cond3A_33 {
        %dma_wait3A_156 = arith.constant 0 : i32
        %dma_wait3A_157 = arith.constant 0 : i32
        %dma_wait3A_158 = tpu.memref_slice %arg4[%dma_wait3A_156, %dma_wait3A_157] : memref<131072x256xi32, #tpu.memory_space<hbm>> -> memref<64x256xi32, #tpu.memory_space<hbm>>
        %dma_wait3A_159 = arith.constant 0 : i32
        %dma_wait3A_160 = arith.constant 0 : i32
        %dma_wait3A_161 = tpu.memref_slice %arg4[%dma_wait3A_159, %dma_wait3A_160] : memref<131072x256xi32, #tpu.memory_space<hbm>> -> memref<64x256xi32, #tpu.memory_space<hbm>>
        tpu.wait_dma2 semaphore(%arg14 : memref<!tpu.dma_semaphore, #tpu.memory_space<semaphore_mem>>) src(%dma_wait3A_161 : memref<64x256xi32, #tpu.memory_space<hbm>>) dst(%arg6 : memref<64x256xi32, #tpu.memory_space<vmem>>)
      } else {
      }
      %mul3A_34 = arith.constant 4 : i32
      %mul3A_35 = arith.muli %scan3A_31, %mul3A_34 : i32
      %add3A_36 = arith.constant 0 : i32
      %add3A_37 = arith.addi %mul3A_35, %add3A_36 : i32
      %mul3A_38 = arith.constant 64 : i32
      %mul3A_39 = arith.muli %add3A_37, %mul3A_38 : i32
      %dma_start3A = tpu.memref_slice %arg5[%mul3A_39] : memref<4096xi32, #tpu.memory_space<vmem>> -> memref<64xi32, #tpu.memory_space<vmem>>
      %dma_start3A_40 = arith.constant 0 : i32
      %dma_start3A_41 = arith.constant 0 : i32
      %dma_start3A_42 = tpu.memref_slice %arg2[%dma_start3A_40, %dma_start3A_41] : memref<8192x256xi32, #tpu.memory_space<hbm>> -> memref<8192x256xi32, #tpu.memory_space<hbm>>
      tpu.enqueue_indirect_dma source(%dma_start3A_42 : memref<8192x256xi32, #tpu.memory_space<hbm>>) target(%arg6 : memref<64x256xi32, #tpu.memory_space<vmem>>) offsets(%dma_start3A : memref<64xi32, #tpu.memory_space<vmem>>) semaphore(%arg10 : memref<!tpu.dma_semaphore, #tpu.memory_space<semaphore_mem>>)
      %gt3A_43 = arith.constant 0 : i32
      %gt3A_44 = arith.cmpi sgt, %scan3A_31, %gt3A_43 : i32
      %convert_element_type3A_45 = arith.extui %gt3A_44 : i1 to i32
      %cond3A_46 = arith.constant 0 : i32
      %cond3A_47 = arith.cmpi ne, %convert_element_type3A_45, %cond3A_46 : i32
      scf.if %cond3A_47 {
        %dma_wait3A_156 = arith.constant 0 : i32
        %dma_wait3A_157 = arith.constant 0 : i32
        %dma_wait3A_158 = tpu.memref_slice %arg4[%dma_wait3A_156, %dma_wait3A_157] : memref<131072x256xi32, #tpu.memory_space<hbm>> -> memref<64x256xi32, #tpu.memory_space<hbm>>
        %dma_wait3A_159 = arith.constant 0 : i32
        %dma_wait3A_160 = arith.constant 0 : i32
        %dma_wait3A_161 = tpu.memref_slice %arg4[%dma_wait3A_159, %dma_wait3A_160] : memref<131072x256xi32, #tpu.memory_space<hbm>> -> memref<64x256xi32, #tpu.memory_space<hbm>>
        tpu.wait_dma2 semaphore(%arg15 : memref<!tpu.dma_semaphore, #tpu.memory_space<semaphore_mem>>) src(%dma_wait3A_161 : memref<64x256xi32, #tpu.memory_space<hbm>>) dst(%arg7 : memref<64x256xi32, #tpu.memory_space<vmem>>)
      } else {
      }
      %mul3A_48 = arith.constant 4 : i32
      %mul3A_49 = arith.muli %scan3A_31, %mul3A_48 : i32
      %add3A_50 = arith.constant 1 : i32
      %add3A_51 = arith.addi %mul3A_49, %add3A_50 : i32
      %mul3A_52 = arith.constant 64 : i32
      %mul3A_53 = arith.muli %add3A_51, %mul3A_52 : i32
      %dma_start3A_54 = tpu.memref_slice %arg5[%mul3A_53] : memref<4096xi32, #tpu.memory_space<vmem>> -> memref<64xi32, #tpu.memory_space<vmem>>
      %dma_start3A_55 = arith.constant 0 : i32
      %dma_start3A_56 = arith.constant 0 : i32
      %dma_start3A_57 = tpu.memref_slice %arg2[%dma_start3A_55, %dma_start3A_56] : memref<8192x256xi32, #tpu.memory_space<hbm>> -> memref<8192x256xi32, #tpu.memory_space<hbm>>
      tpu.enqueue_indirect_dma source(%dma_start3A_57 : memref<8192x256xi32, #tpu.memory_space<hbm>>) target(%arg7 : memref<64x256xi32, #tpu.memory_space<vmem>>) offsets(%dma_start3A_54 : memref<64xi32, #tpu.memory_space<vmem>>) semaphore(%arg11 : memref<!tpu.dma_semaphore, #tpu.memory_space<semaphore_mem>>)
      %gt3A_58 = arith.constant 0 : i32
      %gt3A_59 = arith.cmpi sgt, %scan3A_31, %gt3A_58 : i32
      %convert_element_type3A_60 = arith.extui %gt3A_59 : i1 to i32
      %cond3A_61 = arith.constant 0 : i32
      %cond3A_62 = arith.cmpi ne, %convert_element_type3A_60, %cond3A_61 : i32
      scf.if %cond3A_62 {
        %dma_wait3A_156 = arith.constant 0 : i32
        %dma_wait3A_157 = arith.constant 0 : i32
        %dma_wait3A_158 = tpu.memref_slice %arg4[%dma_wait3A_156, %dma_wait3A_157] : memref<131072x256xi32, #tpu.memory_space<hbm>> -> memref<64x256xi32, #tpu.memory_space<hbm>>
        %dma_wait3A_159 = arith.constant 0 : i32
        %dma_wait3A_160 = arith.constant 0 : i32
        %dma_wait3A_161 = tpu.memref_slice %arg4[%dma_wait3A_159, %dma_wait3A_160] : memref<131072x256xi32, #tpu.memory_space<hbm>> -> memref<64x256xi32, #tpu.memory_space<hbm>>
        tpu.wait_dma2 semaphore(%arg16 : memref<!tpu.dma_semaphore, #tpu.memory_space<semaphore_mem>>) src(%dma_wait3A_161 : memref<64x256xi32, #tpu.memory_space<hbm>>) dst(%arg8 : memref<64x256xi32, #tpu.memory_space<vmem>>)
      } else {
      }
      %mul3A_63 = arith.constant 4 : i32
      %mul3A_64 = arith.muli %scan3A_31, %mul3A_63 : i32
      %add3A_65 = arith.constant 2 : i32
      %add3A_66 = arith.addi %mul3A_64, %add3A_65 : i32
      %mul3A_67 = arith.constant 64 : i32
      %mul3A_68 = arith.muli %add3A_66, %mul3A_67 : i32
      %dma_start3A_69 = tpu.memref_slice %arg5[%mul3A_68] : memref<4096xi32, #tpu.memory_space<vmem>> -> memref<64xi32, #tpu.memory_space<vmem>>
      %dma_start3A_70 = arith.constant 0 : i32
      %dma_start3A_71 = arith.constant 0 : i32
      %dma_start3A_72 = tpu.memref_slice %arg2[%dma_start3A_70, %dma_start3A_71] : memref<8192x256xi32, #tpu.memory_space<hbm>> -> memref<8192x256xi32, #tpu.memory_space<hbm>>
      tpu.enqueue_indirect_dma source(%dma_start3A_72 : memref<8192x256xi32, #tpu.memory_space<hbm>>) target(%arg8 : memref<64x256xi32, #tpu.memory_space<vmem>>) offsets(%dma_start3A_69 : memref<64xi32, #tpu.memory_space<vmem>>) semaphore(%arg12 : memref<!tpu.dma_semaphore, #tpu.memory_space<semaphore_mem>>)
      %gt3A_73 = arith.constant 0 : i32
      %gt3A_74 = arith.cmpi sgt, %scan3A_31, %gt3A_73 : i32
      %convert_element_type3A_75 = arith.extui %gt3A_74 : i1 to i32
      %cond3A_76 = arith.constant 0 : i32
      %cond3A_77 = arith.cmpi ne, %convert_element_type3A_75, %cond3A_76 : i32
      scf.if %cond3A_77 {
        %dma_wait3A_156 = arith.constant 0 : i32
        %dma_wait3A_157 = arith.constant 0 : i32
        %dma_wait3A_158 = tpu.memref_slice %arg4[%dma_wait3A_156, %dma_wait3A_157] : memref<131072x256xi32, #tpu.memory_space<hbm>> -> memref<64x256xi32, #tpu.memory_space<hbm>>
        %dma_wait3A_159 = arith.constant 0 : i32
        %dma_wait3A_160 = arith.constant 0 : i32
        %dma_wait3A_161 = tpu.memref_slice %arg4[%dma_wait3A_159, %dma_wait3A_160] : memref<131072x256xi32, #tpu.memory_space<hbm>> -> memref<64x256xi32, #tpu.memory_space<hbm>>
        tpu.wait_dma2 semaphore(%arg17 : memref<!tpu.dma_semaphore, #tpu.memory_space<semaphore_mem>>) src(%dma_wait3A_161 : memref<64x256xi32, #tpu.memory_space<hbm>>) dst(%arg9 : memref<64x256xi32, #tpu.memory_space<vmem>>)
      } else {
      }
      %mul3A_78 = arith.constant 4 : i32
      %mul3A_79 = arith.muli %scan3A_31, %mul3A_78 : i32
      %add3A_80 = arith.constant 3 : i32
      %add3A_81 = arith.addi %mul3A_79, %add3A_80 : i32
      %mul3A_82 = arith.constant 64 : i32
      %mul3A_83 = arith.muli %add3A_81, %mul3A_82 : i32
      %dma_start3A_84 = tpu.memref_slice %arg5[%mul3A_83] : memref<4096xi32, #tpu.memory_space<vmem>> -> memref<64xi32, #tpu.memory_space<vmem>>
      %dma_start3A_85 = arith.constant 0 : i32
      %dma_start3A_86 = arith.constant 0 : i32
      %dma_start3A_87 = tpu.memref_slice %arg2[%dma_start3A_85, %dma_start3A_86] : memref<8192x256xi32, #tpu.memory_space<hbm>> -> memref<8192x256xi32, #tpu.memory_space<hbm>>
      tpu.enqueue_indirect_dma source(%dma_start3A_87 : memref<8192x256xi32, #tpu.memory_space<hbm>>) target(%arg9 : memref<64x256xi32, #tpu.memory_space<vmem>>) offsets(%dma_start3A_84 : memref<64xi32, #tpu.memory_space<vmem>>) semaphore(%arg13 : memref<!tpu.dma_semaphore, #tpu.memory_space<semaphore_mem>>)
      %dma_wait3A_88 = arith.constant 0 : i32
      %dma_wait3A_89 = arith.constant 0 : i32
      %dma_wait3A_90 = tpu.memref_slice %arg4[%dma_wait3A_88, %dma_wait3A_89] : memref<131072x256xi32, #tpu.memory_space<hbm>> -> memref<64x256xi32, #tpu.memory_space<hbm>>
      %dma_wait3A_91 = arith.constant 0 : i32
      %dma_wait3A_92 = arith.constant 0 : i32
      %dma_wait3A_93 = tpu.memref_slice %arg4[%dma_wait3A_91, %dma_wait3A_92] : memref<131072x256xi32, #tpu.memory_space<hbm>> -> memref<64x256xi32, #tpu.memory_space<hbm>>
      tpu.wait_dma2 semaphore(%arg10 : memref<!tpu.dma_semaphore, #tpu.memory_space<semaphore_mem>>) src(%dma_wait3A_93 : memref<64x256xi32, #tpu.memory_space<hbm>>) dst(%arg6 : memref<64x256xi32, #tpu.memory_space<vmem>>)
      %mul3A_94 = arith.constant 4 : i32
      %mul3A_95 = arith.muli %scan3A_31, %mul3A_94 : i32
      %add3A_96 = arith.constant 0 : i32
      %add3A_97 = arith.addi %mul3A_95, %add3A_96 : i32
      %mul3A_98 = arith.constant 64 : i32
      %mul3A_99 = arith.muli %add3A_97, %mul3A_98 : i32
      %add3A_100 = arith.addi %mul3A_2, %mul3A_99 : i32
      %dma_start3A_101 = arith.constant 0 : i32
      %dma_start3A_102 = tpu.memref_slice %arg4[%add3A_100, %dma_start3A_101] : memref<131072x256xi32, #tpu.memory_space<hbm>> -> memref<64x256xi32, #tpu.memory_space<hbm>>
      %dma_start3A_103 = arith.constant 0 : i32
      %dma_start3A_104 = tpu.memref_slice %arg4[%add3A_100, %dma_start3A_103] : memref<131072x256xi32, #tpu.memory_space<hbm>> -> memref<64x256xi32, #tpu.memory_space<hbm>>
      tpu.enqueue_dma source(%arg6 : memref<64x256xi32, #tpu.memory_space<vmem>>) target(%dma_start3A_104 : memref<64x256xi32, #tpu.memory_space<hbm>>) target_semaphore(%arg14 : memref<!tpu.dma_semaphore, #tpu.memory_space<semaphore_mem>>)
      %dma_wait3A_105 = arith.constant 0 : i32
      %dma_wait3A_106 = arith.constant 0 : i32
      %dma_wait3A_107 = tpu.memref_slice %arg4[%dma_wait3A_105, %dma_wait3A_106] : memref<131072x256xi32, #tpu.memory_space<hbm>> -> memref<64x256xi32, #tpu.memory_space<hbm>>
      %dma_wait3A_108 = arith.constant 0 : i32
      %dma_wait3A_109 = arith.constant 0 : i32
      %dma_wait3A_110 = tpu.memref_slice %arg4[%dma_wait3A_108, %dma_wait3A_109] : memref<131072x256xi32, #tpu.memory_space<hbm>> -> memref<64x256xi32, #tpu.memory_space<hbm>>
      tpu.wait_dma2 semaphore(%arg11 : memref<!tpu.dma_semaphore, #tpu.memory_space<semaphore_mem>>) src(%dma_wait3A_110 : memref<64x256xi32, #tpu.memory_space<hbm>>) dst(%arg7 : memref<64x256xi32, #tpu.memory_space<vmem>>)
      %mul3A_111 = arith.constant 4 : i32
      %mul3A_112 = arith.muli %scan3A_31, %mul3A_111 : i32
      %add3A_113 = arith.constant 1 : i32
      %add3A_114 = arith.addi %mul3A_112, %add3A_113 : i32
      %mul3A_115 = arith.constant 64 : i32
      %mul3A_116 = arith.muli %add3A_114, %mul3A_115 : i32
      %add3A_117 = arith.addi %mul3A_2, %mul3A_116 : i32
      %dma_start3A_118 = arith.constant 0 : i32
      %dma_start3A_119 = tpu.memref_slice %arg4[%add3A_117, %dma_start3A_118] : memref<131072x256xi32, #tpu.memory_space<hbm>> -> memref<64x256xi32, #tpu.memory_space<hbm>>
      %dma_start3A_120 = arith.constant 0 : i32
      %dma_start3A_121 = tpu.memref_slice %arg4[%add3A_117, %dma_start3A_120] : memref<131072x256xi32, #tpu.memory_space<hbm>> -> memref<64x256xi32, #tpu.memory_space<hbm>>
      tpu.enqueue_dma source(%arg7 : memref<64x256xi32, #tpu.memory_space<vmem>>) target(%dma_start3A_121 : memref<64x256xi32, #tpu.memory_space<hbm>>) target_semaphore(%arg15 : memref<!tpu.dma_semaphore, #tpu.memory_space<semaphore_mem>>)
      %dma_wait3A_122 = arith.constant 0 : i32
      %dma_wait3A_123 = arith.constant 0 : i32
      %dma_wait3A_124 = tpu.memref_slice %arg4[%dma_wait3A_122, %dma_wait3A_123] : memref<131072x256xi32, #tpu.memory_space<hbm>> -> memref<64x256xi32, #tpu.memory_space<hbm>>
      %dma_wait3A_125 = arith.constant 0 : i32
      %dma_wait3A_126 = arith.constant 0 : i32
      %dma_wait3A_127 = tpu.memref_slice %arg4[%dma_wait3A_125, %dma_wait3A_126] : memref<131072x256xi32, #tpu.memory_space<hbm>> -> memref<64x256xi32, #tpu.memory_space<hbm>>
      tpu.wait_dma2 semaphore(%arg12 : memref<!tpu.dma_semaphore, #tpu.memory_space<semaphore_mem>>) src(%dma_wait3A_127 : memref<64x256xi32, #tpu.memory_space<hbm>>) dst(%arg8 : memref<64x256xi32, #tpu.memory_space<vmem>>)
      %mul3A_128 = arith.constant 4 : i32
      %mul3A_129 = arith.muli %scan3A_31, %mul3A_128 : i32
      %add3A_130 = arith.constant 2 : i32
      %add3A_131 = arith.addi %mul3A_129, %add3A_130 : i32
      %mul3A_132 = arith.constant 64 : i32
      %mul3A_133 = arith.muli %add3A_131, %mul3A_132 : i32
      %add3A_134 = arith.addi %mul3A_2, %mul3A_133 : i32
      %dma_start3A_135 = arith.constant 0 : i32
      %dma_start3A_136 = tpu.memref_slice %arg4[%add3A_134, %dma_start3A_135] : memref<131072x256xi32, #tpu.memory_space<hbm>> -> memref<64x256xi32, #tpu.memory_space<hbm>>
      %dma_start3A_137 = arith.constant 0 : i32
      %dma_start3A_138 = tpu.memref_slice %arg4[%add3A_134, %dma_start3A_137] : memref<131072x256xi32, #tpu.memory_space<hbm>> -> memref<64x256xi32, #tpu.memory_space<hbm>>
      tpu.enqueue_dma source(%arg8 : memref<64x256xi32, #tpu.memory_space<vmem>>) target(%dma_start3A_138 : memref<64x256xi32, #tpu.memory_space<hbm>>) target_semaphore(%arg16 : memref<!tpu.dma_semaphore, #tpu.memory_space<semaphore_mem>>)
      %dma_wait3A_139 = arith.constant 0 : i32
      %dma_wait3A_140 = arith.constant 0 : i32
      %dma_wait3A_141 = tpu.memref_slice %arg4[%dma_wait3A_139, %dma_wait3A_140] : memref<131072x256xi32, #tpu.memory_space<hbm>> -> memref<64x256xi32, #tpu.memory_space<hbm>>
      %dma_wait3A_142 = arith.constant 0 : i32
      %dma_wait3A_143 = arith.constant 0 : i32
      %dma_wait3A_144 = tpu.memref_slice %arg4[%dma_wait3A_142, %dma_wait3A_143] : memref<131072x256xi32, #tpu.memory_space<hbm>> -> memref<64x256xi32, #tpu.memory_space<hbm>>
      tpu.wait_dma2 semaphore(%arg13 : memref<!tpu.dma_semaphore, #tpu.memory_space<semaphore_mem>>) src(%dma_wait3A_144 : memref<64x256xi32, #tpu.memory_space<hbm>>) dst(%arg9 : memref<64x256xi32, #tpu.memory_space<vmem>>)
      %mul3A_145 = arith.constant 4 : i32
      %mul3A_146 = arith.muli %scan3A_31, %mul3A_145 : i32
      %add3A_147 = arith.constant 3 : i32
      %add3A_148 = arith.addi %mul3A_146, %add3A_147 : i32
      %mul3A_149 = arith.constant 64 : i32
      %mul3A_150 = arith.muli %add3A_148, %mul3A_149 : i32
      %add3A_151 = arith.addi %mul3A_2, %mul3A_150 : i32
      %dma_start3A_152 = arith.constant 0 : i32
      %dma_start3A_153 = tpu.memref_slice %arg4[%add3A_151, %dma_start3A_152] : memref<131072x256xi32, #tpu.memory_space<hbm>> -> memref<64x256xi32, #tpu.memory_space<hbm>>
      %dma_start3A_154 = arith.constant 0 : i32
      %dma_start3A_155 = tpu.memref_slice %arg4[%add3A_151, %dma_start3A_154] : memref<131072x256xi32, #tpu.memory_space<hbm>> -> memref<64x256xi32, #tpu.memory_space<hbm>>
      tpu.enqueue_dma source(%arg9 : memref<64x256xi32, #tpu.memory_space<vmem>>) target(%dma_start3A_155 : memref<64x256xi32, #tpu.memory_space<hbm>>) target_semaphore(%arg17 : memref<!tpu.dma_semaphore, #tpu.memory_space<semaphore_mem>>)
    }
    %scan3A_7 = arith.constant 16 : i32
    %dma_wait3A = arith.constant 0 : i32
    %dma_wait3A_8 = arith.constant 0 : i32
    %dma_wait3A_9 = tpu.memref_slice %arg4[%dma_wait3A, %dma_wait3A_8] : memref<131072x256xi32, #tpu.memory_space<hbm>> -> memref<64x256xi32, #tpu.memory_space<hbm>>
    %dma_wait3A_10 = arith.constant 0 : i32
    %dma_wait3A_11 = arith.constant 0 : i32
    %dma_wait3A_12 = tpu.memref_slice %arg4[%dma_wait3A_10, %dma_wait3A_11] : memref<131072x256xi32, #tpu.memory_space<hbm>> -> memref<64x256xi32, #tpu.memory_space<hbm>>
    tpu.wait_dma2 semaphore(%arg14 : memref<!tpu.dma_semaphore, #tpu.memory_space<semaphore_mem>>) src(%dma_wait3A_12 : memref<64x256xi32, #tpu.memory_space<hbm>>) dst(%arg6 : memref<64x256xi32, #tpu.memory_space<vmem>>)
    %dma_wait3A_13 = arith.constant 0 : i32
    %dma_wait3A_14 = arith.constant 0 : i32
    %dma_wait3A_15 = tpu.memref_slice %arg4[%dma_wait3A_13, %dma_wait3A_14] : memref<131072x256xi32, #tpu.memory_space<hbm>> -> memref<64x256xi32, #tpu.memory_space<hbm>>
    %dma_wait3A_16 = arith.constant 0 : i32
    %dma_wait3A_17 = arith.constant 0 : i32
    %dma_wait3A_18 = tpu.memref_slice %arg4[%dma_wait3A_16, %dma_wait3A_17] : memref<131072x256xi32, #tpu.memory_space<hbm>> -> memref<64x256xi32, #tpu.memory_space<hbm>>
    tpu.wait_dma2 semaphore(%arg15 : memref<!tpu.dma_semaphore, #tpu.memory_space<semaphore_mem>>) src(%dma_wait3A_18 : memref<64x256xi32, #tpu.memory_space<hbm>>) dst(%arg7 : memref<64x256xi32, #tpu.memory_space<vmem>>)
    %dma_wait3A_19 = arith.constant 0 : i32
    %dma_wait3A_20 = arith.constant 0 : i32
    %dma_wait3A_21 = tpu.memref_slice %arg4[%dma_wait3A_19, %dma_wait3A_20] : memref<131072x256xi32, #tpu.memory_space<hbm>> -> memref<64x256xi32, #tpu.memory_space<hbm>>
    %dma_wait3A_22 = arith.constant 0 : i32
    %dma_wait3A_23 = arith.constant 0 : i32
    %dma_wait3A_24 = tpu.memref_slice %arg4[%dma_wait3A_22, %dma_wait3A_23] : memref<131072x256xi32, #tpu.memory_space<hbm>> -> memref<64x256xi32, #tpu.memory_space<hbm>>
    tpu.wait_dma2 semaphore(%arg16 : memref<!tpu.dma_semaphore, #tpu.memory_space<semaphore_mem>>) src(%dma_wait3A_24 : memref<64x256xi32, #tpu.memory_space<hbm>>) dst(%arg8 : memref<64x256xi32, #tpu.memory_space<vmem>>)
    %dma_wait3A_25 = arith.constant 0 : i32
    %dma_wait3A_26 = arith.constant 0 : i32
    %dma_wait3A_27 = tpu.memref_slice %arg4[%dma_wait3A_25, %dma_wait3A_26] : memref<131072x256xi32, #tpu.memory_space<hbm>> -> memref<64x256xi32, #tpu.memory_space<hbm>>
    %dma_wait3A_28 = arith.constant 0 : i32
    %dma_wait3A_29 = arith.constant 0 : i32
    %dma_wait3A_30 = tpu.memref_slice %arg4[%dma_wait3A_28, %dma_wait3A_29] : memref<131072x256xi32, #tpu.memory_space<hbm>> -> memref<64x256xi32, #tpu.memory_space<hbm>>
    tpu.wait_dma2 semaphore(%arg17 : memref<!tpu.dma_semaphore, #tpu.memory_space<semaphore_mem>>) src(%dma_wait3A_30 : memref<64x256xi32, #tpu.memory_space<hbm>>) dst(%arg9 : memref<64x256xi32, #tpu.memory_space<vmem>>)
    return
  }
}

module attributes {stable_mosaic.version = 14 : i64} {
  func.func @body(%arg0: i32, %arg1: i32, %arg2: memref<3x256xf32, #tpu.memory_space<vmem>>, %arg3: memref<3x512xf32, #tpu.memory_space<vmem>>, %arg4: memref<512x256xf32, #tpu.memory_space<vmem>>, %arg5: memref<256x256xf32, #tpu.memory_space<vmem>>) attributes {dimension_semantics = [#tpu.dimension_semantics<arbitrary>, #tpu.dimension_semantics<arbitrary>], iteration_bounds = array<i64: 4, 8>, scalar_prefetch = 0 : i64, scratch_operands = 0 : i64, tpu.core_type = #tpu.core_type<tc>, window_params = [{transform_indices = @transform_0, window_bounds = array<i64: 3, 256>}, {transform_indices = @transform_1, window_bounds = array<i64: 3, 512>}, {transform_indices = @transform_2, window_bounds = array<i64: 512, 256>}, {transform_indices = @transform_3, window_bounds = array<i64: 256, 256>}]} {
    %get3A = arith.constant 0 : index
    %get3A_0 = arith.constant 0 : index
    %get3A_1 = vector.load %arg2[%get3A, %get3A_0] : memref<3x256xf32, #tpu.memory_space<vmem>>, vector<3x256xf32>
    %get3A_2 = arith.constant 0 : index
    %get3A_3 = arith.constant 0 : index
    %get3A_4 = vector.load %arg3[%get3A_2, %get3A_3] : memref<3x512xf32, #tpu.memory_space<vmem>>, vector<3x512xf32>
    %mul3A = arith.mulf %get3A_1, %get3A_1 : vector<3x256xf32>
    %reduce_sum3A = arith.constant dense<0.000000e+00> : vector<256xf32>
    %reduce_sum3A_5 = vector.multi_reduction <add>, %mul3A, %reduce_sum3A [0] : vector<3x256xf32> to vector<256xf32>
    %broadcast_in_dim3A = vector.shape_cast %reduce_sum3A_5 : vector<256xf32> to vector<1x256xf32>
    %mul3A_6 = arith.mulf %get3A_4, %get3A_4 : vector<3x512xf32>
    %reduce_sum3A_7 = arith.constant dense<0.000000e+00> : vector<512xf32>
    %reduce_sum3A_8 = vector.multi_reduction <add>, %mul3A_6, %reduce_sum3A_7 [0] : vector<3x512xf32> to vector<512xf32>
    %broadcast_in_dim3A_9 = vector.shape_cast %reduce_sum3A_8 : vector<512xf32> to vector<1x512xf32>
    %broadcast_in_dim3A_10 = arith.constant 1.000000e+00 : f32
    %broadcast_in_dim3A_11 = vector.broadcast %broadcast_in_dim3A_10 : f32 to vector<1x256xf32>
    %broadcast_in_dim3A_12 = arith.constant 1.000000e+00 : f32
    %broadcast_in_dim3A_13 = vector.broadcast %broadcast_in_dim3A_12 : f32 to vector<1x512xf32>
    %concatenate3A = tpu.concatenate %get3A_1, %broadcast_in_dim3A, %broadcast_in_dim3A_11 in 0 : vector<3x256xf32>, vector<1x256xf32>, vector<1x256xf32> -> vector<5x256xf32>
    %mul3A_14 = arith.constant -2.000000e+00 : f32
    %mul3A_15 = vector.broadcast %mul3A_14 : f32 to vector<3x512xf32>
    %mul3A_16 = arith.mulf %mul3A_15, %get3A_4 : vector<3x512xf32>
    %concatenate3A_17 = tpu.concatenate %mul3A_16, %broadcast_in_dim3A_13, %broadcast_in_dim3A_9 in 0 : vector<3x512xf32>, vector<1x512xf32>, vector<1x512xf32> -> vector<5x512xf32>
    %convert_element_type3A = arith.truncf %concatenate3A : vector<5x256xf32> to vector<5x256xbf16>
    %convert_element_type3A_18 = arith.truncf %concatenate3A_17 : vector<5x512xf32> to vector<5x512xbf16>
    %convert_element_type3A_19 = arith.extf %convert_element_type3A : vector<5x256xbf16> to vector<5x256xf32>
    %sub3A = arith.subf %concatenate3A, %convert_element_type3A_19 : vector<5x256xf32>
    %convert_element_type3A_20 = arith.truncf %sub3A : vector<5x256xf32> to vector<5x256xbf16>
    %convert_element_type3A_21 = arith.extf %convert_element_type3A_18 : vector<5x512xbf16> to vector<5x512xf32>
    %sub3A_22 = arith.subf %concatenate3A_17, %convert_element_type3A_21 : vector<5x512xf32>
    %convert_element_type3A_23 = arith.truncf %sub3A_22 : vector<5x512xf32> to vector<5x512xbf16>
    %dot_general3A = arith.constant dense<0.000000e+00> : vector<256x512xf32>
    %dot_general3A_24 = tpu.matmul %convert_element_type3A, %convert_element_type3A_18, %dot_general3A {dimension_numbers = #tpu.dot_dimension_numbers<[0], [0], [1], [1], [0, 1, 1, 1], [], []>, transpose_lhs_hint = false} : vector<5x256xbf16>, vector<5x512xbf16>, vector<256x512xf32> -> vector<256x512xf32>
    %dot_general3A_25 = arith.constant dense<0.000000e+00> : vector<256x512xf32>
    %dot_general3A_26 = tpu.matmul %convert_element_type3A, %convert_element_type3A_23, %dot_general3A_25 {dimension_numbers = #tpu.dot_dimension_numbers<[0], [0], [1], [1], [0, 1, 1, 1], [], []>, transpose_lhs_hint = false} : vector<5x256xbf16>, vector<5x512xbf16>, vector<256x512xf32> -> vector<256x512xf32>
    %add3A = arith.addf %dot_general3A_24, %dot_general3A_26 : vector<256x512xf32>
    %dot_general3A_27 = arith.constant dense<0.000000e+00> : vector<256x512xf32>
    %dot_general3A_28 = tpu.matmul %convert_element_type3A_20, %convert_element_type3A_18, %dot_general3A_27 {dimension_numbers = #tpu.dot_dimension_numbers<[0], [0], [1], [1], [0, 1, 1, 1], [], []>, transpose_lhs_hint = false} : vector<5x256xbf16>, vector<5x512xbf16>, vector<256x512xf32> -> vector<256x512xf32>
    %add3A_29 = arith.addf %add3A, %dot_general3A_28 : vector<256x512xf32>
    %max3A = arith.constant 0.000000e+00 : f32
    %max3A_30 = vector.broadcast %max3A : f32 to vector<256x512xf32>
    %max3A_31 = arith.maximumf %add3A_29, %max3A_30 : vector<256x512xf32>
    %add3A_32 = arith.constant 9.99999996E-13 : f32
    %add3A_33 = vector.broadcast %add3A_32 : f32 to vector<256x512xf32>
    %add3A_34 = arith.addf %max3A_31, %add3A_33 : vector<256x512xf32>
    %sqrt3A = math.sqrt %add3A_34 : vector<256x512xf32>
    %reduce_min3A = arith.constant dense<0x7F800000> : vector<256xf32>
    %reduce_min3A_35 = vector.multi_reduction <minimumf>, %sqrt3A, %reduce_min3A [1] : vector<256x512xf32> to vector<256xf32>
    %broadcast_in_dim3A_36 = vector.shape_cast %reduce_min3A_35 : vector<256xf32> to vector<256x1xf32>
    %eq3A = vector.broadcast %broadcast_in_dim3A_36 : vector<256x1xf32> to vector<256x512xf32>
    %eq3A_37 = arith.cmpf oeq, %sqrt3A, %eq3A : vector<256x512xf32>
    %jit3A = arith.constant 0x7F800000 : f32
    %broadcast_in_dim3A_38 = vector.broadcast %jit3A : f32 to vector<256x512xf32>
    %select_n3A = arith.select %eq3A_37, %broadcast_in_dim3A_38, %sqrt3A : vector<256x512xi1>, vector<256x512xf32>
    %reduce_min3A_39 = arith.constant dense<0x7F800000> : vector<256xf32>
    %reduce_min3A_40 = vector.multi_reduction <minimumf>, %select_n3A, %reduce_min3A_39 [1] : vector<256x512xf32> to vector<256xf32>
    %broadcast_in_dim3A_41 = vector.shape_cast %reduce_min3A_40 : vector<256xf32> to vector<256x1xf32>
    %eq3A_42 = vector.broadcast %broadcast_in_dim3A_41 : vector<256x1xf32> to vector<256x512xf32>
    %eq3A_43 = arith.cmpf oeq, %select_n3A, %eq3A_42 : vector<256x512xf32>
    %jit3A_44 = arith.constant 0x7F800000 : f32
    %broadcast_in_dim3A_45 = vector.broadcast %jit3A_44 : f32 to vector<256x512xf32>
    %select_n3A_46 = arith.select %eq3A_43, %broadcast_in_dim3A_45, %select_n3A : vector<256x512xi1>, vector<256x512xf32>
    %reduce_min3A_47 = arith.constant dense<0x7F800000> : vector<256xf32>
    %reduce_min3A_48 = vector.multi_reduction <minimumf>, %select_n3A_46, %reduce_min3A_47 [1] : vector<256x512xf32> to vector<256xf32>
    %broadcast_in_dim3A_49 = vector.shape_cast %reduce_min3A_48 : vector<256xf32> to vector<256x1xf32>
    %eq3A_50 = vector.broadcast %broadcast_in_dim3A_49 : vector<256x1xf32> to vector<256x512xf32>
    %eq3A_51 = arith.cmpf oeq, %select_n3A_46, %eq3A_50 : vector<256x512xf32>
    %jit3A_52 = arith.constant 0x7F800000 : f32
    %broadcast_in_dim3A_53 = vector.broadcast %jit3A_52 : f32 to vector<256x512xf32>
    %select_n3A_54 = arith.select %eq3A_51, %broadcast_in_dim3A_53, %select_n3A_46 : vector<256x512xi1>, vector<256x512xf32>
    %reduce_min3A_55 = arith.constant dense<0x7F800000> : vector<256xf32>
    %reduce_min3A_56 = vector.multi_reduction <minimumf>, %select_n3A_54, %reduce_min3A_55 [1] : vector<256x512xf32> to vector<256xf32>
    %broadcast_in_dim3A_57 = vector.shape_cast %reduce_min3A_56 : vector<256xf32> to vector<256x1xf32>
    %eq3A_58 = vector.broadcast %broadcast_in_dim3A_57 : vector<256x1xf32> to vector<256x512xf32>
    %eq3A_59 = arith.cmpf oeq, %select_n3A_54, %eq3A_58 : vector<256x512xf32>
    %jit3A_60 = arith.constant 0x7F800000 : f32
    %broadcast_in_dim3A_61 = vector.broadcast %jit3A_60 : f32 to vector<256x512xf32>
    %select_n3A_62 = arith.select %eq3A_59, %broadcast_in_dim3A_61, %select_n3A_54 : vector<256x512xi1>, vector<256x512xf32>
    %reduce_min3A_63 = arith.constant dense<0x7F800000> : vector<256xf32>
    %reduce_min3A_64 = vector.multi_reduction <minimumf>, %select_n3A_62, %reduce_min3A_63 [1] : vector<256x512xf32> to vector<256xf32>
    %broadcast_in_dim3A_65 = vector.shape_cast %reduce_min3A_64 : vector<256xf32> to vector<256x1xf32>
    %eq3A_66 = vector.broadcast %broadcast_in_dim3A_65 : vector<256x1xf32> to vector<256x512xf32>
    %eq3A_67 = arith.cmpf oeq, %select_n3A_62, %eq3A_66 : vector<256x512xf32>
    %jit3A_68 = arith.constant 0x7F800000 : f32
    %broadcast_in_dim3A_69 = vector.broadcast %jit3A_68 : f32 to vector<256x512xf32>
    %select_n3A_70 = arith.select %eq3A_67, %broadcast_in_dim3A_69, %select_n3A_62 : vector<256x512xi1>, vector<256x512xf32>
    %reduce_min3A_71 = arith.constant dense<0x7F800000> : vector<256xf32>
    %reduce_min3A_72 = vector.multi_reduction <minimumf>, %select_n3A_70, %reduce_min3A_71 [1] : vector<256x512xf32> to vector<256xf32>
    %broadcast_in_dim3A_73 = vector.shape_cast %reduce_min3A_72 : vector<256xf32> to vector<256x1xf32>
    %eq3A_74 = vector.broadcast %broadcast_in_dim3A_73 : vector<256x1xf32> to vector<256x512xf32>
    %eq3A_75 = arith.cmpf oeq, %select_n3A_70, %eq3A_74 : vector<256x512xf32>
    %jit3A_76 = arith.constant 0x7F800000 : f32
    %broadcast_in_dim3A_77 = vector.broadcast %jit3A_76 : f32 to vector<256x512xf32>
    %select_n3A_78 = arith.select %eq3A_75, %broadcast_in_dim3A_77, %select_n3A_70 : vector<256x512xi1>, vector<256x512xf32>
    %reduce_min3A_79 = arith.constant dense<0x7F800000> : vector<256xf32>
    %reduce_min3A_80 = vector.multi_reduction <minimumf>, %select_n3A_78, %reduce_min3A_79 [1] : vector<256x512xf32> to vector<256xf32>
    %broadcast_in_dim3A_81 = vector.shape_cast %reduce_min3A_80 : vector<256xf32> to vector<256x1xf32>
    %eq3A_82 = vector.broadcast %broadcast_in_dim3A_81 : vector<256x1xf32> to vector<256x512xf32>
    %eq3A_83 = arith.cmpf oeq, %select_n3A_78, %eq3A_82 : vector<256x512xf32>
    %jit3A_84 = arith.constant 0x7F800000 : f32
    %broadcast_in_dim3A_85 = vector.broadcast %jit3A_84 : f32 to vector<256x512xf32>
    %select_n3A_86 = arith.select %eq3A_83, %broadcast_in_dim3A_85, %select_n3A_78 : vector<256x512xi1>, vector<256x512xf32>
    %reduce_min3A_87 = arith.constant dense<0x7F800000> : vector<256xf32>
    %reduce_min3A_88 = vector.multi_reduction <minimumf>, %select_n3A_86, %reduce_min3A_87 [1] : vector<256x512xf32> to vector<256xf32>
    %broadcast_in_dim3A_89 = vector.shape_cast %reduce_min3A_88 : vector<256xf32> to vector<256x1xf32>
    %le3A = vector.broadcast %broadcast_in_dim3A_89 : vector<256x1xf32> to vector<256x512xf32>
    %le3A_90 = arith.cmpf ole, %sqrt3A, %le3A : vector<256x512xf32>
    %add3A_91 = arith.constant 9.99999993E-9 : f32
    %add3A_92 = vector.broadcast %add3A_91 : f32 to vector<256x512xf32>
    %add3A_93 = arith.addf %sqrt3A, %add3A_92 : vector<256x512xf32>
    %div3A = arith.constant 1.000000e+00 : f32
    %div3A_94 = vector.broadcast %div3A : f32 to vector<256x512xf32>
    %div3A_95 = arith.divf %div3A_94, %add3A_93 : vector<256x512xf32>
    %jit3A_96 = arith.constant 0.000000e+00 : f32
    %broadcast_in_dim3A_97 = vector.broadcast %jit3A_96 : f32 to vector<256x512xf32>
    %select_n3A_98 = arith.select %le3A_90, %div3A_95, %broadcast_in_dim3A_97 : vector<256x512xi1>, vector<256x512xf32>
    %reduce_sum3A_99 = arith.constant dense<0.000000e+00> : vector<256xf32>
    %reduce_sum3A_100 = vector.multi_reduction <add>, %select_n3A_98, %reduce_sum3A_99 [1] : vector<256x512xf32> to vector<256xf32>
    %broadcast_in_dim3A_101 = vector.shape_cast %reduce_sum3A_100 : vector<256xf32> to vector<256x1xf32>
    %div3A_102 = vector.broadcast %broadcast_in_dim3A_101 : vector<256x1xf32> to vector<256x512xf32>
    %div3A_103 = arith.divf %select_n3A_98, %div3A_102 : vector<256x512xf32>
    %get3A_104 = arith.constant 0 : index
    %get3A_105 = arith.constant 0 : index
    %get3A_106 = vector.load %arg4[%get3A_104, %get3A_105] : memref<512x256xf32, #tpu.memory_space<vmem>>, vector<512x256xf32>
    %dot_general3A_107 = arith.constant dense<0.000000e+00> : vector<256x256xf32>
    %dot_general3A_108 = tpu.matmul %div3A_103, %get3A_106, %dot_general3A_107 {dimension_numbers = #tpu.dot_dimension_numbers<[1], [0], [0], [1], [0, 0, 1, 1], [], []>, transpose_lhs_hint = false} : vector<256x512xf32>, vector<512x256xf32>, vector<256x256xf32> -> vector<256x256xf32>
    %swap3A = arith.constant 0 : index
    %swap3A_109 = arith.constant 0 : index
    %swap3A_110 = vector.load %arg5[%swap3A, %swap3A_109] : memref<256x256xf32, #tpu.memory_space<vmem>>, vector<256x256xf32>
    tpu.vector_store %arg5[%swap3A, %swap3A_109], %dot_general3A_108 {strides = array<i32>} : memref<256x256xf32, #tpu.memory_space<vmem>>, vector<256x256xf32>,
    return
  }
  func.func @transform_0(%arg0: i32, %arg1: i32) -> (i32, i32) {
    %mul3A = arith.constant 8 : i32
    %mul3A_0 = arith.muli %arg0, %mul3A : i32
    %add3A = arith.addi %mul3A_0, %arg1 : i32
    %c0_i32 = arith.constant 0 : i32
    %c0_i32_1 = arith.constant 0 : i32
    return %c0_i32, %add3A : i32, i32
  }
  func.func @transform_1(%arg0: i32, %arg1: i32) -> (i32, i32) {
    %c0_i32 = arith.constant 0 : i32
    %c0_i32_0 = arith.constant 0 : i32
    return %c0_i32, %arg0 : i32, i32
  }
  func.func @transform_2(%arg0: i32, %arg1: i32) -> (i32, i32) {
    %c0_i32 = arith.constant 0 : i32
    %c0_i32_0 = arith.constant 0 : i32
    return %arg0, %c0_i32 : i32, i32
  }
  func.func @transform_3(%arg0: i32, %arg1: i32) -> (i32, i32) {
    %mul3A = arith.constant 8 : i32
    %mul3A_0 = arith.muli %arg0, %mul3A : i32
    %add3A = arith.addi %mul3A_0, %arg1 : i32
    %c0_i32 = arith.constant 0 : i32
    %c0_i32_1 = arith.constant 0 : i32
    return %add3A, %c0_i32 : i32, i32
  }
}

module attributes {stable_mosaic.version = 14 : i64} {
  func.func @body(%arg0: i32, %arg1: memref<512x128xf32, #tpu.memory_space<vmem>>, %arg2: memref<128x256xf32, #tpu.memory_space<vmem>>, %arg3: memref<1x256xf32, #tpu.memory_space<vmem>>, %arg4: memref<512x256xf32, #tpu.memory_space<vmem>>, %arg5: memref<8x256xf32, #tpu.memory_space<vmem>>) attributes {dimension_semantics = [#tpu.dimension_semantics<arbitrary>], iteration_bounds = array<i64: 16>, scalar_prefetch = 0 : i64, scratch_operands = 0 : i64, tpu.core_type = #tpu.core_type<tc>, window_params = [{transform_indices = @transform_0, window_bounds = array<i64: 512, 128>}, {pipeline_mode = #tpu.pipeline_mode<synchronous>, transform_indices = @transform_1, window_bounds = array<i64: 128, 256>}, {pipeline_mode = #tpu.pipeline_mode<synchronous>, transform_indices = @transform_2, window_bounds = array<i64: 1, 256>}, {transform_indices = @transform_3, window_bounds = array<i64: 512, 256>}, {pipeline_mode = #tpu.pipeline_mode<synchronous>, transform_indices = @transform_4, window_bounds = array<i64: 8, 256>}]} {
    %get3A = arith.constant 0 : index
    %get3A_0 = arith.constant 0 : index
    %get3A_1 = vector.load %arg1[%get3A, %get3A_0] : memref<512x128xf32, #tpu.memory_space<vmem>>, vector<512x128xf32>
    %get3A_2 = arith.constant 0 : index
    %get3A_3 = arith.constant 0 : index
    %get3A_4 = vector.load %arg2[%get3A_2, %get3A_3] : memref<128x256xf32, #tpu.memory_space<vmem>>, vector<128x256xf32>
    %dot_general3A = arith.constant dense<0.000000e+00> : vector<512x256xf32>
    %dot_general3A_5 = tpu.matmul %get3A_1, %get3A_4, %dot_general3A {dimension_numbers = #tpu.dot_dimension_numbers<[1], [0], [0], [1], [0, 0, 1, 1], [], []>, transpose_lhs_hint = false} : vector<512x128xf32>, vector<128x256xf32>, vector<512x256xf32> -> vector<512x256xf32>
    %get3A_6 = arith.constant 0 : index
    %get3A_7 = arith.constant 0 : index
    %get3A_8 = vector.load %arg3[%get3A_6, %get3A_7] : memref<1x256xf32, #tpu.memory_space<vmem>>, vector<1x256xf32>
    %add3A = vector.broadcast %get3A_8 : vector<1x256xf32> to vector<512x256xf32>
    %add3A_9 = arith.addf %dot_general3A_5, %add3A : vector<512x256xf32>
    %swap3A = arith.constant 0 : index
    %swap3A_10 = arith.constant 0 : index
    %swap3A_11 = vector.load %arg4[%swap3A, %swap3A_10] : memref<512x256xf32, #tpu.memory_space<vmem>>, vector<512x256xf32>
    tpu.vector_store %arg4[%swap3A, %swap3A_10], %add3A_9 {strides = array<i32>} : memref<512x256xf32, #tpu.memory_space<vmem>>, vector<512x256xf32>,
    %reduce_sum3A = arith.constant dense<0.000000e+00> : vector<256xf32>
    %reduce_sum3A_12 = vector.multi_reduction <add>, %add3A_9, %reduce_sum3A [0] : vector<512x256xf32> to vector<256xf32>
    %broadcast_in_dim3A = vector.shape_cast %reduce_sum3A_12 : vector<256xf32> to vector<1x256xf32>
    %mul3A = arith.mulf %add3A_9, %add3A_9 : vector<512x256xf32>
    %reduce_sum3A_13 = arith.constant dense<0.000000e+00> : vector<256xf32>
    %reduce_sum3A_14 = vector.multi_reduction <add>, %mul3A, %reduce_sum3A_13 [0] : vector<512x256xf32> to vector<256xf32>
    %broadcast_in_dim3A_15 = vector.shape_cast %reduce_sum3A_14 : vector<256xf32> to vector<1x256xf32>
    %broadcast_in_dim3A_16 = arith.constant 0.000000e+00 : f32
    %broadcast_in_dim3A_17 = vector.broadcast %broadcast_in_dim3A_16 : f32 to vector<6x256xf32>
    %concatenate3A = tpu.concatenate %broadcast_in_dim3A, %broadcast_in_dim3A_15, %broadcast_in_dim3A_17 in 0 : vector<1x256xf32>, vector<1x256xf32>, vector<6x256xf32> -> vector<8x256xf32>
    %eq3A = arith.constant 0 : i32
    %eq3A_18 = arith.cmpi eq, %arg0, %eq3A : i32
    %convert_element_type3A = arith.extui %eq3A_18 : i1 to i32
    %cond3A = arith.constant 0 : i32
    %cond3A_19 = arith.cmpi ne, %convert_element_type3A, %cond3A : i32
    scf.if %cond3A_19 {
      %swap3A_24 = arith.constant 0 : index
      %swap3A_25 = arith.constant 0 : index
      %swap3A_26 = vector.load %arg5[%swap3A_24, %swap3A_25] : memref<8x256xf32, #tpu.memory_space<vmem>>, vector<8x256xf32>
      tpu.vector_store %arg5[%swap3A_24, %swap3A_25], %concatenate3A {strides = array<i32>} : memref<8x256xf32, #tpu.memory_space<vmem>>, vector<8x256xf32>,
    } else {
    }
    %ne3A = arith.constant 0 : i32
    %ne3A_20 = arith.cmpi ne, %arg0, %ne3A : i32
    %convert_element_type3A_21 = arith.extui %ne3A_20 : i1 to i32
    %cond3A_22 = arith.constant 0 : i32
    %cond3A_23 = arith.cmpi ne, %convert_element_type3A_21, %cond3A_22 : i32
    scf.if %cond3A_23 {
      %get3A_24 = arith.constant 0 : index
      %get3A_25 = arith.constant 0 : index
      %get3A_26 = vector.load %arg5[%get3A_24, %get3A_25] : memref<8x256xf32, #tpu.memory_space<vmem>>, vector<8x256xf32>
      %add3A_27 = arith.addf %get3A_26, %concatenate3A : vector<8x256xf32>
      %swap3A_28 = arith.constant 0 : index
      %swap3A_29 = arith.constant 0 : index
      %swap3A_30 = vector.load %arg5[%swap3A_28, %swap3A_29] : memref<8x256xf32, #tpu.memory_space<vmem>>, vector<8x256xf32>
      tpu.vector_store %arg5[%swap3A_28, %swap3A_29], %add3A_27 {strides = array<i32>} : memref<8x256xf32, #tpu.memory_space<vmem>>, vector<8x256xf32>,
    } else {
    }
    return
  }
  func.func @transform_0(%arg0: i32) -> (i32, i32) {
    %c0_i32 = arith.constant 0 : i32
    %c0_i32_0 = arith.constant 0 : i32
    return %arg0, %c0_i32 : i32, i32
  }
  func.func @transform_1(%arg0: i32) -> (i32, i32) {
    %c0_i32 = arith.constant 0 : i32
    %c0_i32_0 = arith.constant 0 : i32
    %c0_i32_1 = arith.constant 0 : i32
    return %c0_i32, %c0_i32_0 : i32, i32
  }
  func.func @transform_2(%arg0: i32) -> (i32, i32) {
    %c0_i32 = arith.constant 0 : i32
    %c0_i32_0 = arith.constant 0 : i32
    %c0_i32_1 = arith.constant 0 : i32
    return %c0_i32, %c0_i32_0 : i32, i32
  }
  func.func @transform_3(%arg0: i32) -> (i32, i32) {
    %c0_i32 = arith.constant 0 : i32
    %c0_i32_0 = arith.constant 0 : i32
    return %arg0, %c0_i32 : i32, i32
  }
  func.func @transform_4(%arg0: i32) -> (i32, i32) {
    %c0_i32 = arith.constant 0 : i32
    %c0_i32_0 = arith.constant 0 : i32
    %c0_i32_1 = arith.constant 0 : i32
    return %c0_i32, %c0_i32_0 : i32, i32
  }
}

module attributes {stable_mosaic.version = 14 : i64} {
  func.func @body(%arg0: i32, %arg1: i32, %arg2: memref<3x256xf32, #tpu.memory_space<vmem>>, %arg3: memref<3x2048xf32, #tpu.memory_space<vmem>>, %arg4: memref<256x16xi32, #tpu.memory_space<vmem>>) attributes {dimension_semantics = [#tpu.dimension_semantics<arbitrary>, #tpu.dimension_semantics<arbitrary>], iteration_bounds = array<i64: 4, 8>, scalar_prefetch = 0 : i64, scratch_operands = 0 : i64, tpu.core_type = #tpu.core_type<tc>, window_params = [{transform_indices = @transform_0, window_bounds = array<i64: 3, 256>}, {transform_indices = @transform_1, window_bounds = array<i64: 3, 2048>}, {transform_indices = @transform_2, window_bounds = array<i64: 256, 16>}]} {
    %get3A = arith.constant 0 : index
    %get3A_0 = arith.constant 0 : index
    %get3A_1 = vector.load %arg2[%get3A, %get3A_0] : memref<3x256xf32, #tpu.memory_space<vmem>>, vector<3x256xf32>
    %get3A_2 = arith.constant 0 : index
    %get3A_3 = arith.constant 0 : index
    %get3A_4 = vector.load %arg3[%get3A_2, %get3A_3] : memref<3x2048xf32, #tpu.memory_space<vmem>>, vector<3x2048xf32>
    %mul3A = arith.mulf %get3A_1, %get3A_1 : vector<3x256xf32>
    %reduce_sum3A = arith.constant dense<0.000000e+00> : vector<256xf32>
    %reduce_sum3A_5 = vector.multi_reduction <add>, %mul3A, %reduce_sum3A [0] : vector<3x256xf32> to vector<256xf32>
    %broadcast_in_dim3A = vector.shape_cast %reduce_sum3A_5 : vector<256xf32> to vector<1x256xf32>
    %mul3A_6 = arith.mulf %get3A_4, %get3A_4 : vector<3x2048xf32>
    %reduce_sum3A_7 = arith.constant dense<0.000000e+00> : vector<2048xf32>
    %reduce_sum3A_8 = vector.multi_reduction <add>, %mul3A_6, %reduce_sum3A_7 [0] : vector<3x2048xf32> to vector<2048xf32>
    %broadcast_in_dim3A_9 = vector.shape_cast %reduce_sum3A_8 : vector<2048xf32> to vector<1x2048xf32>
    %broadcast_in_dim3A_10 = arith.constant 1.000000e+00 : f32
    %broadcast_in_dim3A_11 = vector.broadcast %broadcast_in_dim3A_10 : f32 to vector<1x256xf32>
    %concatenate3A = tpu.concatenate %get3A_1, %broadcast_in_dim3A, %broadcast_in_dim3A_11 in 0 : vector<3x256xf32>, vector<1x256xf32>, vector<1x256xf32> -> vector<5x256xf32>
    %mul3A_12 = arith.constant -2.000000e+00 : f32
    %mul3A_13 = vector.broadcast %mul3A_12 : f32 to vector<3x2048xf32>
    %mul3A_14 = arith.mulf %mul3A_13, %get3A_4 : vector<3x2048xf32>
    %broadcast_in_dim3A_15 = arith.constant 1.000000e+00 : f32
    %broadcast_in_dim3A_16 = vector.broadcast %broadcast_in_dim3A_15 : f32 to vector<1x2048xf32>
    %concatenate3A_17 = tpu.concatenate %mul3A_14, %broadcast_in_dim3A_16, %broadcast_in_dim3A_9 in 0 : vector<3x2048xf32>, vector<1x2048xf32>, vector<1x2048xf32> -> vector<5x2048xf32>
    %convert_element_type3A = arith.truncf %concatenate3A : vector<5x256xf32> to vector<5x256xbf16>
    %convert_element_type3A_18 = arith.truncf %concatenate3A_17 : vector<5x2048xf32> to vector<5x2048xbf16>
    %convert_element_type3A_19 = arith.extf %convert_element_type3A : vector<5x256xbf16> to vector<5x256xf32>
    %sub3A = arith.subf %concatenate3A, %convert_element_type3A_19 : vector<5x256xf32>
    %convert_element_type3A_20 = arith.truncf %sub3A : vector<5x256xf32> to vector<5x256xbf16>
    %convert_element_type3A_21 = arith.extf %convert_element_type3A_18 : vector<5x2048xbf16> to vector<5x2048xf32>
    %sub3A_22 = arith.subf %concatenate3A_17, %convert_element_type3A_21 : vector<5x2048xf32>
    %convert_element_type3A_23 = arith.truncf %sub3A_22 : vector<5x2048xf32> to vector<5x2048xbf16>
    %dot_general3A = arith.constant dense<0.000000e+00> : vector<256x2048xf32>
    %dot_general3A_24 = tpu.matmul %convert_element_type3A, %convert_element_type3A_18, %dot_general3A {dimension_numbers = #tpu.dot_dimension_numbers<[0], [0], [1], [1], [0, 1, 1, 1], [], []>, transpose_lhs_hint = false} : vector<5x256xbf16>, vector<5x2048xbf16>, vector<256x2048xf32> -> vector<256x2048xf32>
    %dot_general3A_25 = arith.constant dense<0.000000e+00> : vector<256x2048xf32>
    %dot_general3A_26 = tpu.matmul %convert_element_type3A, %convert_element_type3A_23, %dot_general3A_25 {dimension_numbers = #tpu.dot_dimension_numbers<[0], [0], [1], [1], [0, 1, 1, 1], [], []>, transpose_lhs_hint = false} : vector<5x256xbf16>, vector<5x2048xbf16>, vector<256x2048xf32> -> vector<256x2048xf32>
    %add3A = arith.addf %dot_general3A_24, %dot_general3A_26 : vector<256x2048xf32>
    %dot_general3A_27 = arith.constant dense<0.000000e+00> : vector<256x2048xf32>
    %dot_general3A_28 = tpu.matmul %convert_element_type3A_20, %convert_element_type3A_18, %dot_general3A_27 {dimension_numbers = #tpu.dot_dimension_numbers<[0], [0], [1], [1], [0, 1, 1, 1], [], []>, transpose_lhs_hint = false} : vector<5x256xbf16>, vector<5x2048xbf16>, vector<256x2048xf32> -> vector<256x2048xf32>
    %add3A_29 = arith.addf %add3A, %dot_general3A_28 : vector<256x2048xf32>
    %iota3A = tpu.iota {dimensions = array<i32: 1>} : vector<256x2048xi32>
    %convert_element_type3A_30 = arith.sitofp %iota3A : vector<256x2048xi32> to vector<256x2048xf32>
    %iota3A_31 = tpu.iota {dimensions = array<i32: 1>} : vector<256x16xi32>
    %convert_element_type3A_32 = arith.sitofp %iota3A_31 : vector<256x16xi32> to vector<256x16xf32>
    %broadcast_in_dim3A_33 = arith.constant 0.000000e+00 : f32
    %broadcast_in_dim3A_34 = vector.broadcast %broadcast_in_dim3A_33 : f32 to vector<256x16xf32>
    %reduce_min3A = arith.constant dense<0x7F800000> : vector<256xf32>
    %reduce_min3A_35 = vector.multi_reduction <minimumf>, %add3A_29, %reduce_min3A [1] : vector<256x2048xf32> to vector<256xf32>
    %broadcast_in_dim3A_36 = vector.shape_cast %reduce_min3A_35 : vector<256xf32> to vector<256x1xf32>
    %eq3A = vector.broadcast %broadcast_in_dim3A_36 : vector<256x1xf32> to vector<256x2048xf32>
    %eq3A_37 = arith.cmpf oeq, %add3A_29, %eq3A : vector<256x2048xf32>
    %jit3A = arith.constant 0x7F800000 : f32
    %broadcast_in_dim3A_38 = vector.broadcast %jit3A : f32 to vector<256x2048xf32>
    %select_n3A = arith.select %eq3A_37, %convert_element_type3A_30, %broadcast_in_dim3A_38 : vector<256x2048xi1>, vector<256x2048xf32>
    %reduce_min3A_39 = arith.constant dense<0x7F800000> : vector<256xf32>
    %reduce_min3A_40 = vector.multi_reduction <minimumf>, %select_n3A, %reduce_min3A_39 [1] : vector<256x2048xf32> to vector<256xf32>
    %broadcast_in_dim3A_41 = vector.shape_cast %reduce_min3A_40 : vector<256xf32> to vector<256x1xf32>
    %eq3A_42 = arith.constant 0.000000e+00 : f32
    %eq3A_43 = vector.broadcast %eq3A_42 : f32 to vector<256x16xf32>
    %eq3A_44 = arith.cmpf oeq, %convert_element_type3A_32, %eq3A_43 : vector<256x16xf32>
    %jit3A_45 = arith.constant 0.000000e+00 : f32
    %broadcast_in_dim3A_46 = vector.shape_cast %broadcast_in_dim3A_41 : vector<256x1xf32> to vector<256x1xf32>
    %broadcast_in_dim3A_47 = vector.broadcast %broadcast_in_dim3A_46 : vector<256x1xf32> to vector<256x16xf32>
    %broadcast_in_dim3A_48 = vector.broadcast %jit3A_45 : f32 to vector<256x16xf32>
    %select_n3A_49 = arith.select %eq3A_44, %broadcast_in_dim3A_47, %broadcast_in_dim3A_48 : vector<256x16xi1>, vector<256x16xf32>
    %add3A_50 = arith.addf %broadcast_in_dim3A_34, %select_n3A_49 : vector<256x16xf32>
    %jit3A_51 = arith.constant 0x7F800000 : f32
    %broadcast_in_dim3A_52 = vector.broadcast %jit3A_51 : f32 to vector<256x2048xf32>
    %select_n3A_53 = arith.select %eq3A_37, %broadcast_in_dim3A_52, %add3A_29 : vector<256x2048xi1>, vector<256x2048xf32>
    %reduce_min3A_54 = arith.constant dense<0x7F800000> : vector<256xf32>
    %reduce_min3A_55 = vector.multi_reduction <minimumf>, %select_n3A_53, %reduce_min3A_54 [1] : vector<256x2048xf32> to vector<256xf32>
    %broadcast_in_dim3A_56 = vector.shape_cast %reduce_min3A_55 : vector<256xf32> to vector<256x1xf32>
    %eq3A_57 = vector.broadcast %broadcast_in_dim3A_56 : vector<256x1xf32> to vector<256x2048xf32>
    %eq3A_58 = arith.cmpf oeq, %select_n3A_53, %eq3A_57 : vector<256x2048xf32>
    %jit3A_59 = arith.constant 0x7F800000 : f32
    %broadcast_in_dim3A_60 = vector.broadcast %jit3A_59 : f32 to vector<256x2048xf32>
    %select_n3A_61 = arith.select %eq3A_58, %convert_element_type3A_30, %broadcast_in_dim3A_60 : vector<256x2048xi1>, vector<256x2048xf32>
    %reduce_min3A_62 = arith.constant dense<0x7F800000> : vector<256xf32>
    %reduce_min3A_63 = vector.multi_reduction <minimumf>, %select_n3A_61, %reduce_min3A_62 [1] : vector<256x2048xf32> to vector<256xf32>
    %broadcast_in_dim3A_64 = vector.shape_cast %reduce_min3A_63 : vector<256xf32> to vector<256x1xf32>
    %eq3A_65 = arith.constant 1.000000e+00 : f32
    %eq3A_66 = vector.broadcast %eq3A_65 : f32 to vector<256x16xf32>
    %eq3A_67 = arith.cmpf oeq, %convert_element_type3A_32, %eq3A_66 : vector<256x16xf32>
    %jit3A_68 = arith.constant 0.000000e+00 : f32
    %broadcast_in_dim3A_69 = vector.shape_cast %broadcast_in_dim3A_64 : vector<256x1xf32> to vector<256x1xf32>
    %broadcast_in_dim3A_70 = vector.broadcast %broadcast_in_dim3A_69 : vector<256x1xf32> to vector<256x16xf32>
    %broadcast_in_dim3A_71 = vector.broadcast %jit3A_68 : f32 to vector<256x16xf32>
    %select_n3A_72 = arith.select %eq3A_67, %broadcast_in_dim3A_70, %broadcast_in_dim3A_71 : vector<256x16xi1>, vector<256x16xf32>
    %add3A_73 = arith.addf %add3A_50, %select_n3A_72 : vector<256x16xf32>
    %jit3A_74 = arith.constant 0x7F800000 : f32
    %broadcast_in_dim3A_75 = vector.broadcast %jit3A_74 : f32 to vector<256x2048xf32>
    %select_n3A_76 = arith.select %eq3A_58, %broadcast_in_dim3A_75, %select_n3A_53 : vector<256x2048xi1>, vector<256x2048xf32>
    %reduce_min3A_77 = arith.constant dense<0x7F800000> : vector<256xf32>
    %reduce_min3A_78 = vector.multi_reduction <minimumf>, %select_n3A_76, %reduce_min3A_77 [1] : vector<256x2048xf32> to vector<256xf32>
    %broadcast_in_dim3A_79 = vector.shape_cast %reduce_min3A_78 : vector<256xf32> to vector<256x1xf32>
    %eq3A_80 = vector.broadcast %broadcast_in_dim3A_79 : vector<256x1xf32> to vector<256x2048xf32>
    %eq3A_81 = arith.cmpf oeq, %select_n3A_76, %eq3A_80 : vector<256x2048xf32>
    %jit3A_82 = arith.constant 0x7F800000 : f32
    %broadcast_in_dim3A_83 = vector.broadcast %jit3A_82 : f32 to vector<256x2048xf32>
    %select_n3A_84 = arith.select %eq3A_81, %convert_element_type3A_30, %broadcast_in_dim3A_83 : vector<256x2048xi1>, vector<256x2048xf32>
    %reduce_min3A_85 = arith.constant dense<0x7F800000> : vector<256xf32>
    %reduce_min3A_86 = vector.multi_reduction <minimumf>, %select_n3A_84, %reduce_min3A_85 [1] : vector<256x2048xf32> to vector<256xf32>
    %broadcast_in_dim3A_87 = vector.shape_cast %reduce_min3A_86 : vector<256xf32> to vector<256x1xf32>
    %eq3A_88 = arith.constant 2.000000e+00 : f32
    %eq3A_89 = vector.broadcast %eq3A_88 : f32 to vector<256x16xf32>
    %eq3A_90 = arith.cmpf oeq, %convert_element_type3A_32, %eq3A_89 : vector<256x16xf32>
    %jit3A_91 = arith.constant 0.000000e+00 : f32
    %broadcast_in_dim3A_92 = vector.shape_cast %broadcast_in_dim3A_87 : vector<256x1xf32> to vector<256x1xf32>
    %broadcast_in_dim3A_93 = vector.broadcast %broadcast_in_dim3A_92 : vector<256x1xf32> to vector<256x16xf32>
    %broadcast_in_dim3A_94 = vector.broadcast %jit3A_91 : f32 to vector<256x16xf32>
    %select_n3A_95 = arith.select %eq3A_90, %broadcast_in_dim3A_93, %broadcast_in_dim3A_94 : vector<256x16xi1>, vector<256x16xf32>
    %add3A_96 = arith.addf %add3A_73, %select_n3A_95 : vector<256x16xf32>
    %jit3A_97 = arith.constant 0x7F800000 : f32
    %broadcast_in_dim3A_98 = vector.broadcast %jit3A_97 : f32 to vector<256x2048xf32>
    %select_n3A_99 = arith.select %eq3A_81, %broadcast_in_dim3A_98, %select_n3A_76 : vector<256x2048xi1>, vector<256x2048xf32>
    %reduce_min3A_100 = arith.constant dense<0x7F800000> : vector<256xf32>
    %reduce_min3A_101 = vector.multi_reduction <minimumf>, %select_n3A_99, %reduce_min3A_100 [1] : vector<256x2048xf32> to vector<256xf32>
    %broadcast_in_dim3A_102 = vector.shape_cast %reduce_min3A_101 : vector<256xf32> to vector<256x1xf32>
    %eq3A_103 = vector.broadcast %broadcast_in_dim3A_102 : vector<256x1xf32> to vector<256x2048xf32>
    %eq3A_104 = arith.cmpf oeq, %select_n3A_99, %eq3A_103 : vector<256x2048xf32>
    %jit3A_105 = arith.constant 0x7F800000 : f32
    %broadcast_in_dim3A_106 = vector.broadcast %jit3A_105 : f32 to vector<256x2048xf32>
    %select_n3A_107 = arith.select %eq3A_104, %convert_element_type3A_30, %broadcast_in_dim3A_106 : vector<256x2048xi1>, vector<256x2048xf32>
    %reduce_min3A_108 = arith.constant dense<0x7F800000> : vector<256xf32>
    %reduce_min3A_109 = vector.multi_reduction <minimumf>, %select_n3A_107, %reduce_min3A_108 [1] : vector<256x2048xf32> to vector<256xf32>
    %broadcast_in_dim3A_110 = vector.shape_cast %reduce_min3A_109 : vector<256xf32> to vector<256x1xf32>
    %eq3A_111 = arith.constant 3.000000e+00 : f32
    %eq3A_112 = vector.broadcast %eq3A_111 : f32 to vector<256x16xf32>
    %eq3A_113 = arith.cmpf oeq, %convert_element_type3A_32, %eq3A_112 : vector<256x16xf32>
    %jit3A_114 = arith.constant 0.000000e+00 : f32
    %broadcast_in_dim3A_115 = vector.shape_cast %broadcast_in_dim3A_110 : vector<256x1xf32> to vector<256x1xf32>
    %broadcast_in_dim3A_116 = vector.broadcast %broadcast_in_dim3A_115 : vector<256x1xf32> to vector<256x16xf32>
    %broadcast_in_dim3A_117 = vector.broadcast %jit3A_114 : f32 to vector<256x16xf32>
    %select_n3A_118 = arith.select %eq3A_113, %broadcast_in_dim3A_116, %broadcast_in_dim3A_117 : vector<256x16xi1>, vector<256x16xf32>
    %add3A_119 = arith.addf %add3A_96, %select_n3A_118 : vector<256x16xf32>
    %jit3A_120 = arith.constant 0x7F800000 : f32
    %broadcast_in_dim3A_121 = vector.broadcast %jit3A_120 : f32 to vector<256x2048xf32>
    %select_n3A_122 = arith.select %eq3A_104, %broadcast_in_dim3A_121, %select_n3A_99 : vector<256x2048xi1>, vector<256x2048xf32>
    %reduce_min3A_123 = arith.constant dense<0x7F800000> : vector<256xf32>
    %reduce_min3A_124 = vector.multi_reduction <minimumf>, %select_n3A_122, %reduce_min3A_123 [1] : vector<256x2048xf32> to vector<256xf32>
    %broadcast_in_dim3A_125 = vector.shape_cast %reduce_min3A_124 : vector<256xf32> to vector<256x1xf32>
    %eq3A_126 = vector.broadcast %broadcast_in_dim3A_125 : vector<256x1xf32> to vector<256x2048xf32>
    %eq3A_127 = arith.cmpf oeq, %select_n3A_122, %eq3A_126 : vector<256x2048xf32>
    %jit3A_128 = arith.constant 0x7F800000 : f32
    %broadcast_in_dim3A_129 = vector.broadcast %jit3A_128 : f32 to vector<256x2048xf32>
    %select_n3A_130 = arith.select %eq3A_127, %convert_element_type3A_30, %broadcast_in_dim3A_129 : vector<256x2048xi1>, vector<256x2048xf32>
    %reduce_min3A_131 = arith.constant dense<0x7F800000> : vector<256xf32>
    %reduce_min3A_132 = vector.multi_reduction <minimumf>, %select_n3A_130, %reduce_min3A_131 [1] : vector<256x2048xf32> to vector<256xf32>
    %broadcast_in_dim3A_133 = vector.shape_cast %reduce_min3A_132 : vector<256xf32> to vector<256x1xf32>
    %eq3A_134 = arith.constant 4.000000e+00 : f32
    %eq3A_135 = vector.broadcast %eq3A_134 : f32 to vector<256x16xf32>
    %eq3A_136 = arith.cmpf oeq, %convert_element_type3A_32, %eq3A_135 : vector<256x16xf32>
    %jit3A_137 = arith.constant 0.000000e+00 : f32
    %broadcast_in_dim3A_138 = vector.shape_cast %broadcast_in_dim3A_133 : vector<256x1xf32> to vector<256x1xf32>
    %broadcast_in_dim3A_139 = vector.broadcast %broadcast_in_dim3A_138 : vector<256x1xf32> to vector<256x16xf32>
    %broadcast_in_dim3A_140 = vector.broadcast %jit3A_137 : f32 to vector<256x16xf32>
    %select_n3A_141 = arith.select %eq3A_136, %broadcast_in_dim3A_139, %broadcast_in_dim3A_140 : vector<256x16xi1>, vector<256x16xf32>
    %add3A_142 = arith.addf %add3A_119, %select_n3A_141 : vector<256x16xf32>
    %jit3A_143 = arith.constant 0x7F800000 : f32
    %broadcast_in_dim3A_144 = vector.broadcast %jit3A_143 : f32 to vector<256x2048xf32>
    %select_n3A_145 = arith.select %eq3A_127, %broadcast_in_dim3A_144, %select_n3A_122 : vector<256x2048xi1>, vector<256x2048xf32>
    %reduce_min3A_146 = arith.constant dense<0x7F800000> : vector<256xf32>
    %reduce_min3A_147 = vector.multi_reduction <minimumf>, %select_n3A_145, %reduce_min3A_146 [1] : vector<256x2048xf32> to vector<256xf32>
    %broadcast_in_dim3A_148 = vector.shape_cast %reduce_min3A_147 : vector<256xf32> to vector<256x1xf32>
    %eq3A_149 = vector.broadcast %broadcast_in_dim3A_148 : vector<256x1xf32> to vector<256x2048xf32>
    %eq3A_150 = arith.cmpf oeq, %select_n3A_145, %eq3A_149 : vector<256x2048xf32>
    %jit3A_151 = arith.constant 0x7F800000 : f32
    %broadcast_in_dim3A_152 = vector.broadcast %jit3A_151 : f32 to vector<256x2048xf32>
    %select_n3A_153 = arith.select %eq3A_150, %convert_element_type3A_30, %broadcast_in_dim3A_152 : vector<256x2048xi1>, vector<256x2048xf32>
    %reduce_min3A_154 = arith.constant dense<0x7F800000> : vector<256xf32>
    %reduce_min3A_155 = vector.multi_reduction <minimumf>, %select_n3A_153, %reduce_min3A_154 [1] : vector<256x2048xf32> to vector<256xf32>
    %broadcast_in_dim3A_156 = vector.shape_cast %reduce_min3A_155 : vector<256xf32> to vector<256x1xf32>
    %eq3A_157 = arith.constant 5.000000e+00 : f32
    %eq3A_158 = vector.broadcast %eq3A_157 : f32 to vector<256x16xf32>
    %eq3A_159 = arith.cmpf oeq, %convert_element_type3A_32, %eq3A_158 : vector<256x16xf32>
    %jit3A_160 = arith.constant 0.000000e+00 : f32
    %broadcast_in_dim3A_161 = vector.shape_cast %broadcast_in_dim3A_156 : vector<256x1xf32> to vector<256x1xf32>
    %broadcast_in_dim3A_162 = vector.broadcast %broadcast_in_dim3A_161 : vector<256x1xf32> to vector<256x16xf32>
    %broadcast_in_dim3A_163 = vector.broadcast %jit3A_160 : f32 to vector<256x16xf32>
    %select_n3A_164 = arith.select %eq3A_159, %broadcast_in_dim3A_162, %broadcast_in_dim3A_163 : vector<256x16xi1>, vector<256x16xf32>
    %add3A_165 = arith.addf %add3A_142, %select_n3A_164 : vector<256x16xf32>
    %jit3A_166 = arith.constant 0x7F800000 : f32
    %broadcast_in_dim3A_167 = vector.broadcast %jit3A_166 : f32 to vector<256x2048xf32>
    %select_n3A_168 = arith.select %eq3A_150, %broadcast_in_dim3A_167, %select_n3A_145 : vector<256x2048xi1>, vector<256x2048xf32>
    %reduce_min3A_169 = arith.constant dense<0x7F800000> : vector<256xf32>
    %reduce_min3A_170 = vector.multi_reduction <minimumf>, %select_n3A_168, %reduce_min3A_169 [1] : vector<256x2048xf32> to vector<256xf32>
    %broadcast_in_dim3A_171 = vector.shape_cast %reduce_min3A_170 : vector<256xf32> to vector<256x1xf32>
    %eq3A_172 = vector.broadcast %broadcast_in_dim3A_171 : vector<256x1xf32> to vector<256x2048xf32>
    %eq3A_173 = arith.cmpf oeq, %select_n3A_168, %eq3A_172 : vector<256x2048xf32>
    %jit3A_174 = arith.constant 0x7F800000 : f32
    %broadcast_in_dim3A_175 = vector.broadcast %jit3A_174 : f32 to vector<256x2048xf32>
    %select_n3A_176 = arith.select %eq3A_173, %convert_element_type3A_30, %broadcast_in_dim3A_175 : vector<256x2048xi1>, vector<256x2048xf32>
    %reduce_min3A_177 = arith.constant dense<0x7F800000> : vector<256xf32>
    %reduce_min3A_178 = vector.multi_reduction <minimumf>, %select_n3A_176, %reduce_min3A_177 [1] : vector<256x2048xf32> to vector<256xf32>
    %broadcast_in_dim3A_179 = vector.shape_cast %reduce_min3A_178 : vector<256xf32> to vector<256x1xf32>
    %eq3A_180 = arith.constant 6.000000e+00 : f32
    %eq3A_181 = vector.broadcast %eq3A_180 : f32 to vector<256x16xf32>
    %eq3A_182 = arith.cmpf oeq, %convert_element_type3A_32, %eq3A_181 : vector<256x16xf32>
    %jit3A_183 = arith.constant 0.000000e+00 : f32
    %broadcast_in_dim3A_184 = vector.shape_cast %broadcast_in_dim3A_179 : vector<256x1xf32> to vector<256x1xf32>
    %broadcast_in_dim3A_185 = vector.broadcast %broadcast_in_dim3A_184 : vector<256x1xf32> to vector<256x16xf32>
    %broadcast_in_dim3A_186 = vector.broadcast %jit3A_183 : f32 to vector<256x16xf32>
    %select_n3A_187 = arith.select %eq3A_182, %broadcast_in_dim3A_185, %broadcast_in_dim3A_186 : vector<256x16xi1>, vector<256x16xf32>
    %add3A_188 = arith.addf %add3A_165, %select_n3A_187 : vector<256x16xf32>
    %jit3A_189 = arith.constant 0x7F800000 : f32
    %broadcast_in_dim3A_190 = vector.broadcast %jit3A_189 : f32 to vector<256x2048xf32>
    %select_n3A_191 = arith.select %eq3A_173, %broadcast_in_dim3A_190, %select_n3A_168 : vector<256x2048xi1>, vector<256x2048xf32>
    %reduce_min3A_192 = arith.constant dense<0x7F800000> : vector<256xf32>
    %reduce_min3A_193 = vector.multi_reduction <minimumf>, %select_n3A_191, %reduce_min3A_192 [1] : vector<256x2048xf32> to vector<256xf32>
    %broadcast_in_dim3A_194 = vector.shape_cast %reduce_min3A_193 : vector<256xf32> to vector<256x1xf32>
    %eq3A_195 = vector.broadcast %broadcast_in_dim3A_194 : vector<256x1xf32> to vector<256x2048xf32>
    %eq3A_196 = arith.cmpf oeq, %select_n3A_191, %eq3A_195 : vector<256x2048xf32>
    %jit3A_197 = arith.constant 0x7F800000 : f32
    %broadcast_in_dim3A_198 = vector.broadcast %jit3A_197 : f32 to vector<256x2048xf32>
    %select_n3A_199 = arith.select %eq3A_196, %convert_element_type3A_30, %broadcast_in_dim3A_198 : vector<256x2048xi1>, vector<256x2048xf32>
    %reduce_min3A_200 = arith.constant dense<0x7F800000> : vector<256xf32>
    %reduce_min3A_201 = vector.multi_reduction <minimumf>, %select_n3A_199, %reduce_min3A_200 [1] : vector<256x2048xf32> to vector<256xf32>
    %broadcast_in_dim3A_202 = vector.shape_cast %reduce_min3A_201 : vector<256xf32> to vector<256x1xf32>
    %eq3A_203 = arith.constant 7.000000e+00 : f32
    %eq3A_204 = vector.broadcast %eq3A_203 : f32 to vector<256x16xf32>
    %eq3A_205 = arith.cmpf oeq, %convert_element_type3A_32, %eq3A_204 : vector<256x16xf32>
    %jit3A_206 = arith.constant 0.000000e+00 : f32
    %broadcast_in_dim3A_207 = vector.shape_cast %broadcast_in_dim3A_202 : vector<256x1xf32> to vector<256x1xf32>
    %broadcast_in_dim3A_208 = vector.broadcast %broadcast_in_dim3A_207 : vector<256x1xf32> to vector<256x16xf32>
    %broadcast_in_dim3A_209 = vector.broadcast %jit3A_206 : f32 to vector<256x16xf32>
    %select_n3A_210 = arith.select %eq3A_205, %broadcast_in_dim3A_208, %broadcast_in_dim3A_209 : vector<256x16xi1>, vector<256x16xf32>
    %add3A_211 = arith.addf %add3A_188, %select_n3A_210 : vector<256x16xf32>
    %jit3A_212 = arith.constant 0x7F800000 : f32
    %broadcast_in_dim3A_213 = vector.broadcast %jit3A_212 : f32 to vector<256x2048xf32>
    %select_n3A_214 = arith.select %eq3A_196, %broadcast_in_dim3A_213, %select_n3A_191 : vector<256x2048xi1>, vector<256x2048xf32>
    %reduce_min3A_215 = arith.constant dense<0x7F800000> : vector<256xf32>
    %reduce_min3A_216 = vector.multi_reduction <minimumf>, %select_n3A_214, %reduce_min3A_215 [1] : vector<256x2048xf32> to vector<256xf32>
    %broadcast_in_dim3A_217 = vector.shape_cast %reduce_min3A_216 : vector<256xf32> to vector<256x1xf32>
    %eq3A_218 = vector.broadcast %broadcast_in_dim3A_217 : vector<256x1xf32> to vector<256x2048xf32>
    %eq3A_219 = arith.cmpf oeq, %select_n3A_214, %eq3A_218 : vector<256x2048xf32>
    %jit3A_220 = arith.constant 0x7F800000 : f32
    %broadcast_in_dim3A_221 = vector.broadcast %jit3A_220 : f32 to vector<256x2048xf32>
    %select_n3A_222 = arith.select %eq3A_219, %convert_element_type3A_30, %broadcast_in_dim3A_221 : vector<256x2048xi1>, vector<256x2048xf32>
    %reduce_min3A_223 = arith.constant dense<0x7F800000> : vector<256xf32>
    %reduce_min3A_224 = vector.multi_reduction <minimumf>, %select_n3A_222, %reduce_min3A_223 [1] : vector<256x2048xf32> to vector<256xf32>
    %broadcast_in_dim3A_225 = vector.shape_cast %reduce_min3A_224 : vector<256xf32> to vector<256x1xf32>
    %eq3A_226 = arith.constant 8.000000e+00 : f32
    %eq3A_227 = vector.broadcast %eq3A_226 : f32 to vector<256x16xf32>
    %eq3A_228 = arith.cmpf oeq, %convert_element_type3A_32, %eq3A_227 : vector<256x16xf32>
    %jit3A_229 = arith.constant 0.000000e+00 : f32
    %broadcast_in_dim3A_230 = vector.shape_cast %broadcast_in_dim3A_225 : vector<256x1xf32> to vector<256x1xf32>
    %broadcast_in_dim3A_231 = vector.broadcast %broadcast_in_dim3A_230 : vector<256x1xf32> to vector<256x16xf32>
    %broadcast_in_dim3A_232 = vector.broadcast %jit3A_229 : f32 to vector<256x16xf32>
    %select_n3A_233 = arith.select %eq3A_228, %broadcast_in_dim3A_231, %broadcast_in_dim3A_232 : vector<256x16xi1>, vector<256x16xf32>
    %add3A_234 = arith.addf %add3A_211, %select_n3A_233 : vector<256x16xf32>
    %jit3A_235 = arith.constant 0x7F800000 : f32
    %broadcast_in_dim3A_236 = vector.broadcast %jit3A_235 : f32 to vector<256x2048xf32>
    %select_n3A_237 = arith.select %eq3A_219, %broadcast_in_dim3A_236, %select_n3A_214 : vector<256x2048xi1>, vector<256x2048xf32>
    %reduce_min3A_238 = arith.constant dense<0x7F800000> : vector<256xf32>
    %reduce_min3A_239 = vector.multi_reduction <minimumf>, %select_n3A_237, %reduce_min3A_238 [1] : vector<256x2048xf32> to vector<256xf32>
    %broadcast_in_dim3A_240 = vector.shape_cast %reduce_min3A_239 : vector<256xf32> to vector<256x1xf32>
    %eq3A_241 = vector.broadcast %broadcast_in_dim3A_240 : vector<256x1xf32> to vector<256x2048xf32>
    %eq3A_242 = arith.cmpf oeq, %select_n3A_237, %eq3A_241 : vector<256x2048xf32>
    %jit3A_243 = arith.constant 0x7F800000 : f32
    %broadcast_in_dim3A_244 = vector.broadcast %jit3A_243 : f32 to vector<256x2048xf32>
    %select_n3A_245 = arith.select %eq3A_242, %convert_element_type3A_30, %broadcast_in_dim3A_244 : vector<256x2048xi1>, vector<256x2048xf32>
    %reduce_min3A_246 = arith.constant dense<0x7F800000> : vector<256xf32>
    %reduce_min3A_247 = vector.multi_reduction <minimumf>, %select_n3A_245, %reduce_min3A_246 [1] : vector<256x2048xf32> to vector<256xf32>
    %broadcast_in_dim3A_248 = vector.shape_cast %reduce_min3A_247 : vector<256xf32> to vector<256x1xf32>
    %eq3A_249 = arith.constant 9.000000e+00 : f32
    %eq3A_250 = vector.broadcast %eq3A_249 : f32 to vector<256x16xf32>
    %eq3A_251 = arith.cmpf oeq, %convert_element_type3A_32, %eq3A_250 : vector<256x16xf32>
    %jit3A_252 = arith.constant 0.000000e+00 : f32
    %broadcast_in_dim3A_253 = vector.shape_cast %broadcast_in_dim3A_248 : vector<256x1xf32> to vector<256x1xf32>
    %broadcast_in_dim3A_254 = vector.broadcast %broadcast_in_dim3A_253 : vector<256x1xf32> to vector<256x16xf32>
    %broadcast_in_dim3A_255 = vector.broadcast %jit3A_252 : f32 to vector<256x16xf32>
    %select_n3A_256 = arith.select %eq3A_251, %broadcast_in_dim3A_254, %broadcast_in_dim3A_255 : vector<256x16xi1>, vector<256x16xf32>
    %add3A_257 = arith.addf %add3A_234, %select_n3A_256 : vector<256x16xf32>
    %jit3A_258 = arith.constant 0x7F800000 : f32
    %broadcast_in_dim3A_259 = vector.broadcast %jit3A_258 : f32 to vector<256x2048xf32>
    %select_n3A_260 = arith.select %eq3A_242, %broadcast_in_dim3A_259, %select_n3A_237 : vector<256x2048xi1>, vector<256x2048xf32>
    %reduce_min3A_261 = arith.constant dense<0x7F800000> : vector<256xf32>
    %reduce_min3A_262 = vector.multi_reduction <minimumf>, %select_n3A_260, %reduce_min3A_261 [1] : vector<256x2048xf32> to vector<256xf32>
    %broadcast_in_dim3A_263 = vector.shape_cast %reduce_min3A_262 : vector<256xf32> to vector<256x1xf32>
    %eq3A_264 = vector.broadcast %broadcast_in_dim3A_263 : vector<256x1xf32> to vector<256x2048xf32>
    %eq3A_265 = arith.cmpf oeq, %select_n3A_260, %eq3A_264 : vector<256x2048xf32>
    %jit3A_266 = arith.constant 0x7F800000 : f32
    %broadcast_in_dim3A_267 = vector.broadcast %jit3A_266 : f32 to vector<256x2048xf32>
    %select_n3A_268 = arith.select %eq3A_265, %convert_element_type3A_30, %broadcast_in_dim3A_267 : vector<256x2048xi1>, vector<256x2048xf32>
    %reduce_min3A_269 = arith.constant dense<0x7F800000> : vector<256xf32>
    %reduce_min3A_270 = vector.multi_reduction <minimumf>, %select_n3A_268, %reduce_min3A_269 [1] : vector<256x2048xf32> to vector<256xf32>
    %broadcast_in_dim3A_271 = vector.shape_cast %reduce_min3A_270 : vector<256xf32> to vector<256x1xf32>
    %eq3A_272 = arith.constant 1.000000e+01 : f32
    %eq3A_273 = vector.broadcast %eq3A_272 : f32 to vector<256x16xf32>
    %eq3A_274 = arith.cmpf oeq, %convert_element_type3A_32, %eq3A_273 : vector<256x16xf32>
    %jit3A_275 = arith.constant 0.000000e+00 : f32
    %broadcast_in_dim3A_276 = vector.shape_cast %broadcast_in_dim3A_271 : vector<256x1xf32> to vector<256x1xf32>
    %broadcast_in_dim3A_277 = vector.broadcast %broadcast_in_dim3A_276 : vector<256x1xf32> to vector<256x16xf32>
    %broadcast_in_dim3A_278 = vector.broadcast %jit3A_275 : f32 to vector<256x16xf32>
    %select_n3A_279 = arith.select %eq3A_274, %broadcast_in_dim3A_277, %broadcast_in_dim3A_278 : vector<256x16xi1>, vector<256x16xf32>
    %add3A_280 = arith.addf %add3A_257, %select_n3A_279 : vector<256x16xf32>
    %jit3A_281 = arith.constant 0x7F800000 : f32
    %broadcast_in_dim3A_282 = vector.broadcast %jit3A_281 : f32 to vector<256x2048xf32>
    %select_n3A_283 = arith.select %eq3A_265, %broadcast_in_dim3A_282, %select_n3A_260 : vector<256x2048xi1>, vector<256x2048xf32>
    %reduce_min3A_284 = arith.constant dense<0x7F800000> : vector<256xf32>
    %reduce_min3A_285 = vector.multi_reduction <minimumf>, %select_n3A_283, %reduce_min3A_284 [1] : vector<256x2048xf32> to vector<256xf32>
    %broadcast_in_dim3A_286 = vector.shape_cast %reduce_min3A_285 : vector<256xf32> to vector<256x1xf32>
    %eq3A_287 = vector.broadcast %broadcast_in_dim3A_286 : vector<256x1xf32> to vector<256x2048xf32>
    %eq3A_288 = arith.cmpf oeq, %select_n3A_283, %eq3A_287 : vector<256x2048xf32>
    %jit3A_289 = arith.constant 0x7F800000 : f32
    %broadcast_in_dim3A_290 = vector.broadcast %jit3A_289 : f32 to vector<256x2048xf32>
    %select_n3A_291 = arith.select %eq3A_288, %convert_element_type3A_30, %broadcast_in_dim3A_290 : vector<256x2048xi1>, vector<256x2048xf32>
    %reduce_min3A_292 = arith.constant dense<0x7F800000> : vector<256xf32>
    %reduce_min3A_293 = vector.multi_reduction <minimumf>, %select_n3A_291, %reduce_min3A_292 [1] : vector<256x2048xf32> to vector<256xf32>
    %broadcast_in_dim3A_294 = vector.shape_cast %reduce_min3A_293 : vector<256xf32> to vector<256x1xf32>
    %eq3A_295 = arith.constant 1.100000e+01 : f32
    %eq3A_296 = vector.broadcast %eq3A_295 : f32 to vector<256x16xf32>
    %eq3A_297 = arith.cmpf oeq, %convert_element_type3A_32, %eq3A_296 : vector<256x16xf32>
    %jit3A_298 = arith.constant 0.000000e+00 : f32
    %broadcast_in_dim3A_299 = vector.shape_cast %broadcast_in_dim3A_294 : vector<256x1xf32> to vector<256x1xf32>
    %broadcast_in_dim3A_300 = vector.broadcast %broadcast_in_dim3A_299 : vector<256x1xf32> to vector<256x16xf32>
    %broadcast_in_dim3A_301 = vector.broadcast %jit3A_298 : f32 to vector<256x16xf32>
    %select_n3A_302 = arith.select %eq3A_297, %broadcast_in_dim3A_300, %broadcast_in_dim3A_301 : vector<256x16xi1>, vector<256x16xf32>
    %add3A_303 = arith.addf %add3A_280, %select_n3A_302 : vector<256x16xf32>
    %jit3A_304 = arith.constant 0x7F800000 : f32
    %broadcast_in_dim3A_305 = vector.broadcast %jit3A_304 : f32 to vector<256x2048xf32>
    %select_n3A_306 = arith.select %eq3A_288, %broadcast_in_dim3A_305, %select_n3A_283 : vector<256x2048xi1>, vector<256x2048xf32>
    %reduce_min3A_307 = arith.constant dense<0x7F800000> : vector<256xf32>
    %reduce_min3A_308 = vector.multi_reduction <minimumf>, %select_n3A_306, %reduce_min3A_307 [1] : vector<256x2048xf32> to vector<256xf32>
    %broadcast_in_dim3A_309 = vector.shape_cast %reduce_min3A_308 : vector<256xf32> to vector<256x1xf32>
    %eq3A_310 = vector.broadcast %broadcast_in_dim3A_309 : vector<256x1xf32> to vector<256x2048xf32>
    %eq3A_311 = arith.cmpf oeq, %select_n3A_306, %eq3A_310 : vector<256x2048xf32>
    %jit3A_312 = arith.constant 0x7F800000 : f32
    %broadcast_in_dim3A_313 = vector.broadcast %jit3A_312 : f32 to vector<256x2048xf32>
    %select_n3A_314 = arith.select %eq3A_311, %convert_element_type3A_30, %broadcast_in_dim3A_313 : vector<256x2048xi1>, vector<256x2048xf32>
    %reduce_min3A_315 = arith.constant dense<0x7F800000> : vector<256xf32>
    %reduce_min3A_316 = vector.multi_reduction <minimumf>, %select_n3A_314, %reduce_min3A_315 [1] : vector<256x2048xf32> to vector<256xf32>
    %broadcast_in_dim3A_317 = vector.shape_cast %reduce_min3A_316 : vector<256xf32> to vector<256x1xf32>
    %eq3A_318 = arith.constant 1.200000e+01 : f32
    %eq3A_319 = vector.broadcast %eq3A_318 : f32 to vector<256x16xf32>
    %eq3A_320 = arith.cmpf oeq, %convert_element_type3A_32, %eq3A_319 : vector<256x16xf32>
    %jit3A_321 = arith.constant 0.000000e+00 : f32
    %broadcast_in_dim3A_322 = vector.shape_cast %broadcast_in_dim3A_317 : vector<256x1xf32> to vector<256x1xf32>
    %broadcast_in_dim3A_323 = vector.broadcast %broadcast_in_dim3A_322 : vector<256x1xf32> to vector<256x16xf32>
    %broadcast_in_dim3A_324 = vector.broadcast %jit3A_321 : f32 to vector<256x16xf32>
    %select_n3A_325 = arith.select %eq3A_320, %broadcast_in_dim3A_323, %broadcast_in_dim3A_324 : vector<256x16xi1>, vector<256x16xf32>
    %add3A_326 = arith.addf %add3A_303, %select_n3A_325 : vector<256x16xf32>
    %jit3A_327 = arith.constant 0x7F800000 : f32
    %broadcast_in_dim3A_328 = vector.broadcast %jit3A_327 : f32 to vector<256x2048xf32>
    %select_n3A_329 = arith.select %eq3A_311, %broadcast_in_dim3A_328, %select_n3A_306 : vector<256x2048xi1>, vector<256x2048xf32>
    %reduce_min3A_330 = arith.constant dense<0x7F800000> : vector<256xf32>
    %reduce_min3A_331 = vector.multi_reduction <minimumf>, %select_n3A_329, %reduce_min3A_330 [1] : vector<256x2048xf32> to vector<256xf32>
    %broadcast_in_dim3A_332 = vector.shape_cast %reduce_min3A_331 : vector<256xf32> to vector<256x1xf32>
    %eq3A_333 = vector.broadcast %broadcast_in_dim3A_332 : vector<256x1xf32> to vector<256x2048xf32>
    %eq3A_334 = arith.cmpf oeq, %select_n3A_329, %eq3A_333 : vector<256x2048xf32>
    %jit3A_335 = arith.constant 0x7F800000 : f32
    %broadcast_in_dim3A_336 = vector.broadcast %jit3A_335 : f32 to vector<256x2048xf32>
    %select_n3A_337 = arith.select %eq3A_334, %convert_element_type3A_30, %broadcast_in_dim3A_336 : vector<256x2048xi1>, vector<256x2048xf32>
    %reduce_min3A_338 = arith.constant dense<0x7F800000> : vector<256xf32>
    %reduce_min3A_339 = vector.multi_reduction <minimumf>, %select_n3A_337, %reduce_min3A_338 [1] : vector<256x2048xf32> to vector<256xf32>
    %broadcast_in_dim3A_340 = vector.shape_cast %reduce_min3A_339 : vector<256xf32> to vector<256x1xf32>
    %eq3A_341 = arith.constant 1.300000e+01 : f32
    %eq3A_342 = vector.broadcast %eq3A_341 : f32 to vector<256x16xf32>
    %eq3A_343 = arith.cmpf oeq, %convert_element_type3A_32, %eq3A_342 : vector<256x16xf32>
    %jit3A_344 = arith.constant 0.000000e+00 : f32
    %broadcast_in_dim3A_345 = vector.shape_cast %broadcast_in_dim3A_340 : vector<256x1xf32> to vector<256x1xf32>
    %broadcast_in_dim3A_346 = vector.broadcast %broadcast_in_dim3A_345 : vector<256x1xf32> to vector<256x16xf32>
    %broadcast_in_dim3A_347 = vector.broadcast %jit3A_344 : f32 to vector<256x16xf32>
    %select_n3A_348 = arith.select %eq3A_343, %broadcast_in_dim3A_346, %broadcast_in_dim3A_347 : vector<256x16xi1>, vector<256x16xf32>
    %add3A_349 = arith.addf %add3A_326, %select_n3A_348 : vector<256x16xf32>
    %jit3A_350 = arith.constant 0x7F800000 : f32
    %broadcast_in_dim3A_351 = vector.broadcast %jit3A_350 : f32 to vector<256x2048xf32>
    %select_n3A_352 = arith.select %eq3A_334, %broadcast_in_dim3A_351, %select_n3A_329 : vector<256x2048xi1>, vector<256x2048xf32>
    %reduce_min3A_353 = arith.constant dense<0x7F800000> : vector<256xf32>
    %reduce_min3A_354 = vector.multi_reduction <minimumf>, %select_n3A_352, %reduce_min3A_353 [1] : vector<256x2048xf32> to vector<256xf32>
    %broadcast_in_dim3A_355 = vector.shape_cast %reduce_min3A_354 : vector<256xf32> to vector<256x1xf32>
    %eq3A_356 = vector.broadcast %broadcast_in_dim3A_355 : vector<256x1xf32> to vector<256x2048xf32>
    %eq3A_357 = arith.cmpf oeq, %select_n3A_352, %eq3A_356 : vector<256x2048xf32>
    %jit3A_358 = arith.constant 0x7F800000 : f32
    %broadcast_in_dim3A_359 = vector.broadcast %jit3A_358 : f32 to vector<256x2048xf32>
    %select_n3A_360 = arith.select %eq3A_357, %convert_element_type3A_30, %broadcast_in_dim3A_359 : vector<256x2048xi1>, vector<256x2048xf32>
    %reduce_min3A_361 = arith.constant dense<0x7F800000> : vector<256xf32>
    %reduce_min3A_362 = vector.multi_reduction <minimumf>, %select_n3A_360, %reduce_min3A_361 [1] : vector<256x2048xf32> to vector<256xf32>
    %broadcast_in_dim3A_363 = vector.shape_cast %reduce_min3A_362 : vector<256xf32> to vector<256x1xf32>
    %eq3A_364 = arith.constant 1.400000e+01 : f32
    %eq3A_365 = vector.broadcast %eq3A_364 : f32 to vector<256x16xf32>
    %eq3A_366 = arith.cmpf oeq, %convert_element_type3A_32, %eq3A_365 : vector<256x16xf32>
    %jit3A_367 = arith.constant 0.000000e+00 : f32
    %broadcast_in_dim3A_368 = vector.shape_cast %broadcast_in_dim3A_363 : vector<256x1xf32> to vector<256x1xf32>
    %broadcast_in_dim3A_369 = vector.broadcast %broadcast_in_dim3A_368 : vector<256x1xf32> to vector<256x16xf32>
    %broadcast_in_dim3A_370 = vector.broadcast %jit3A_367 : f32 to vector<256x16xf32>
    %select_n3A_371 = arith.select %eq3A_366, %broadcast_in_dim3A_369, %broadcast_in_dim3A_370 : vector<256x16xi1>, vector<256x16xf32>
    %add3A_372 = arith.addf %add3A_349, %select_n3A_371 : vector<256x16xf32>
    %jit3A_373 = arith.constant 0x7F800000 : f32
    %broadcast_in_dim3A_374 = vector.broadcast %jit3A_373 : f32 to vector<256x2048xf32>
    %select_n3A_375 = arith.select %eq3A_357, %broadcast_in_dim3A_374, %select_n3A_352 : vector<256x2048xi1>, vector<256x2048xf32>
    %reduce_min3A_376 = arith.constant dense<0x7F800000> : vector<256xf32>
    %reduce_min3A_377 = vector.multi_reduction <minimumf>, %select_n3A_375, %reduce_min3A_376 [1] : vector<256x2048xf32> to vector<256xf32>
    %broadcast_in_dim3A_378 = vector.shape_cast %reduce_min3A_377 : vector<256xf32> to vector<256x1xf32>
    %eq3A_379 = vector.broadcast %broadcast_in_dim3A_378 : vector<256x1xf32> to vector<256x2048xf32>
    %eq3A_380 = arith.cmpf oeq, %select_n3A_375, %eq3A_379 : vector<256x2048xf32>
    %jit3A_381 = arith.constant 0x7F800000 : f32
    %broadcast_in_dim3A_382 = vector.broadcast %jit3A_381 : f32 to vector<256x2048xf32>
    %select_n3A_383 = arith.select %eq3A_380, %convert_element_type3A_30, %broadcast_in_dim3A_382 : vector<256x2048xi1>, vector<256x2048xf32>
    %reduce_min3A_384 = arith.constant dense<0x7F800000> : vector<256xf32>
    %reduce_min3A_385 = vector.multi_reduction <minimumf>, %select_n3A_383, %reduce_min3A_384 [1] : vector<256x2048xf32> to vector<256xf32>
    %broadcast_in_dim3A_386 = vector.shape_cast %reduce_min3A_385 : vector<256xf32> to vector<256x1xf32>
    %eq3A_387 = arith.constant 1.500000e+01 : f32
    %eq3A_388 = vector.broadcast %eq3A_387 : f32 to vector<256x16xf32>
    %eq3A_389 = arith.cmpf oeq, %convert_element_type3A_32, %eq3A_388 : vector<256x16xf32>
    %jit3A_390 = arith.constant 0.000000e+00 : f32
    %broadcast_in_dim3A_391 = vector.shape_cast %broadcast_in_dim3A_386 : vector<256x1xf32> to vector<256x1xf32>
    %broadcast_in_dim3A_392 = vector.broadcast %broadcast_in_dim3A_391 : vector<256x1xf32> to vector<256x16xf32>
    %broadcast_in_dim3A_393 = vector.broadcast %jit3A_390 : f32 to vector<256x16xf32>
    %select_n3A_394 = arith.select %eq3A_389, %broadcast_in_dim3A_392, %broadcast_in_dim3A_393 : vector<256x16xi1>, vector<256x16xf32>
    %add3A_395 = arith.addf %add3A_372, %select_n3A_394 : vector<256x16xf32>
    %convert_element_type3A_396 = arith.fptosi %add3A_395 : vector<256x16xf32> to vector<256x16xi32>
    %mul3A_397 = arith.constant 2048 : i32
    %mul3A_398 = arith.muli %arg0, %mul3A_397 : i32
    %add3A_399 = vector.broadcast %mul3A_398 : i32 to vector<256x16xi32>
    %add3A_400 = arith.addi %convert_element_type3A_396, %add3A_399 : vector<256x16xi32>
    %swap3A = arith.constant 0 : index
    %swap3A_401 = arith.constant 0 : index
    %swap3A_402 = vector.load %arg4[%swap3A, %swap3A_401] : memref<256x16xi32, #tpu.memory_space<vmem>>, vector<256x16xi32>
    tpu.vector_store %arg4[%swap3A, %swap3A_401], %add3A_400 {strides = array<i32>} : memref<256x16xi32, #tpu.memory_space<vmem>>, vector<256x16xi32>,
    return
  }
  func.func @transform_0(%arg0: i32, %arg1: i32) -> (i32, i32) {
    %mul3A = arith.constant 8 : i32
    %mul3A_0 = arith.muli %arg0, %mul3A : i32
    %add3A = arith.addi %mul3A_0, %arg1 : i32
    %c0_i32 = arith.constant 0 : i32
    %c0_i32_1 = arith.constant 0 : i32
    return %c0_i32, %add3A : i32, i32
  }
  func.func @transform_1(%arg0: i32, %arg1: i32) -> (i32, i32) {
    %c0_i32 = arith.constant 0 : i32
    %c0_i32_0 = arith.constant 0 : i32
    return %c0_i32, %arg0 : i32, i32
  }
  func.func @transform_2(%arg0: i32, %arg1: i32) -> (i32, i32) {
    %mul3A = arith.constant 8 : i32
    %mul3A_0 = arith.muli %arg0, %mul3A : i32
    %add3A = arith.addi %mul3A_0, %arg1 : i32
    %c0_i32 = arith.constant 0 : i32
    %c0_i32_1 = arith.constant 0 : i32
    return %add3A, %c0_i32 : i32, i32
  }
}

module attributes {stable_mosaic.version = 14 : i64} {
  func.func @body(%arg0: i32, %arg1: memref<512x256xf32, #tpu.memory_space<vmem>>, %arg2: memref<8x256xf32, #tpu.memory_space<vmem>>, %arg3: memref<1x256xf32, #tpu.memory_space<vmem>>, %arg4: memref<1x256xf32, #tpu.memory_space<vmem>>, %arg5: memref<512x256xf32, #tpu.memory_space<vmem>>, %arg6: memref<256x256xf32, #tpu.memory_space<vmem>>, %arg7: memref<256x256xf32, #tpu.memory_space<vmem>>, %arg8: memref<256x256xf32, #tpu.memory_space<vmem>>, %arg9: memref<256x256xf32, #tpu.memory_space<vmem>>, %arg10: memref<1x256xf32, #tpu.memory_space<vmem>>, %arg11: memref<512x256xf32, #tpu.memory_space<vmem>>, %arg12: memref<512x256xi32, #tpu.memory_space<vmem>>) attributes {dimension_semantics = [#tpu.dimension_semantics<arbitrary>], iteration_bounds = array<i64: 16>, scalar_prefetch = 0 : i64, scratch_operands = 0 : i64, tpu.core_type = #tpu.core_type<tc>, window_params = [{transform_indices = @transform_0, window_bounds = array<i64: 512, 256>}, {pipeline_mode = #tpu.pipeline_mode<synchronous>, transform_indices = @transform_1, window_bounds = array<i64: 8, 256>}, {pipeline_mode = #tpu.pipeline_mode<synchronous>, transform_indices = @transform_2, window_bounds = array<i64: 1, 256>}, {pipeline_mode = #tpu.pipeline_mode<synchronous>, transform_indices = @transform_3, window_bounds = array<i64: 1, 256>}, {transform_indices = @transform_4, window_bounds = array<i64: 512, 256>}, {pipeline_mode = #tpu.pipeline_mode<synchronous>, transform_indices = @transform_5, window_bounds = array<i64: 256, 256>}, {pipeline_mode = #tpu.pipeline_mode<synchronous>, transform_indices = @transform_6, window_bounds = array<i64: 256, 256>}, {pipeline_mode = #tpu.pipeline_mode<synchronous>, transform_indices = @transform_7, window_bounds = array<i64: 256, 256>}, {pipeline_mode = #tpu.pipeline_mode<synchronous>, transform_indices = @transform_8, window_bounds = array<i64: 256, 256>}, {pipeline_mode = #tpu.pipeline_mode<synchronous>, transform_indices = @transform_9, window_bounds = array<i64: 1, 256>}, {transform_indices = @transform_10, window_bounds = array<i64: 512, 256>}, {transform_indices = @transform_11, window_bounds = array<i64: 512, 256>}]} {
    %get3A = arith.constant 0 : index
    %get3A_0 = arith.constant 0 : index
    %get3A_1 = vector.load %arg2[%get3A, %get3A_0] : memref<8x256xf32, #tpu.memory_space<vmem>>, vector<8x256xf32>
    %slice3A = vector.extract_strided_slice %get3A_1 {offsets = [0, 0], sizes = [1, 256], strides = [1, 1]} : vector<8x256xf32> to vector<1x256xf32>
    %div3A = arith.constant 8.192000e+03 : f32
    %div3A_2 = vector.broadcast %div3A : f32 to vector<1x256xf32>
    %div3A_3 = arith.divf %slice3A, %div3A_2 : vector<1x256xf32>
    %slice3A_4 = vector.extract_strided_slice %get3A_1 {offsets = [1, 0], sizes = [1, 256], strides = [1, 1]} : vector<8x256xf32> to vector<1x256xf32>
    %div3A_5 = arith.constant 8.192000e+03 : f32
    %div3A_6 = vector.broadcast %div3A_5 : f32 to vector<1x256xf32>
    %div3A_7 = arith.divf %slice3A_4, %div3A_6 : vector<1x256xf32>
    %mul3A = arith.mulf %div3A_3, %div3A_3 : vector<1x256xf32>
    %sub3A = arith.subf %div3A_7, %mul3A : vector<1x256xf32>
    %add3A = arith.constant 9.99999974E-6 : f32
    %add3A_8 = vector.broadcast %add3A : f32 to vector<1x256xf32>
    %add3A_9 = arith.addf %sub3A, %add3A_8 : vector<1x256xf32>
    %rsqrt3A = math.rsqrt %add3A_9 : vector<1x256xf32>
    %get3A_10 = arith.constant 0 : index
    %get3A_11 = arith.constant 0 : index
    %get3A_12 = vector.load %arg1[%get3A_10, %get3A_11] : memref<512x256xf32, #tpu.memory_space<vmem>>, vector<512x256xf32>
    %sub3A_13 = vector.broadcast %div3A_3 : vector<1x256xf32> to vector<512x256xf32>
    %sub3A_14 = arith.subf %get3A_12, %sub3A_13 : vector<512x256xf32>
    %mul3A_15 = vector.broadcast %rsqrt3A : vector<1x256xf32> to vector<512x256xf32>
    %mul3A_16 = arith.mulf %sub3A_14, %mul3A_15 : vector<512x256xf32>
    %get3A_17 = arith.constant 0 : index
    %get3A_18 = arith.constant 0 : index
    %get3A_19 = vector.load %arg3[%get3A_17, %get3A_18] : memref<1x256xf32, #tpu.memory_space<vmem>>, vector<1x256xf32>
    %mul3A_20 = vector.broadcast %get3A_19 : vector<1x256xf32> to vector<512x256xf32>
    %mul3A_21 = arith.mulf %mul3A_16, %mul3A_20 : vector<512x256xf32>
    %get3A_22 = arith.constant 0 : index
    %get3A_23 = arith.constant 0 : index
    %get3A_24 = vector.load %arg4[%get3A_22, %get3A_23] : memref<1x256xf32, #tpu.memory_space<vmem>>, vector<1x256xf32>
    %add3A_25 = vector.broadcast %get3A_24 : vector<1x256xf32> to vector<512x256xf32>
    %add3A_26 = arith.addf %mul3A_21, %add3A_25 : vector<512x256xf32>
    %max3A = arith.constant 0.000000e+00 : f32
    %max3A_27 = vector.broadcast %max3A : f32 to vector<512x256xf32>
    %max3A_28 = arith.maximumf %add3A_26, %max3A_27 : vector<512x256xf32>
    %get3A_29 = arith.constant 0 : index
    %get3A_30 = arith.constant 0 : index
    %get3A_31 = vector.load %arg5[%get3A_29, %get3A_30] : memref<512x256xf32, #tpu.memory_space<vmem>>, vector<512x256xf32>
    %get3A_32 = arith.constant 0 : index
    %get3A_33 = arith.constant 0 : index
    %get3A_34 = vector.load %arg6[%get3A_32, %get3A_33] : memref<256x256xf32, #tpu.memory_space<vmem>>, vector<256x256xf32>
    %dot_general3A = arith.constant dense<0.000000e+00> : vector<512x256xf32>
    %dot_general3A_35 = tpu.matmul %max3A_28, %get3A_34, %dot_general3A {dimension_numbers = #tpu.dot_dimension_numbers<[1], [0], [0], [1], [0, 0, 1, 1], [], []>, transpose_lhs_hint = false} : vector<512x256xf32>, vector<256x256xf32>, vector<512x256xf32> -> vector<512x256xf32>
    %get3A_36 = arith.constant 0 : index
    %get3A_37 = arith.constant 0 : index
    %get3A_38 = vector.load %arg9[%get3A_36, %get3A_37] : memref<256x256xf32, #tpu.memory_space<vmem>>, vector<256x256xf32>
    %dot_general3A_39 = arith.constant dense<0.000000e+00> : vector<512x256xf32>
    %dot_general3A_40 = tpu.matmul %dot_general3A_35, %get3A_38, %dot_general3A_39 {dimension_numbers = #tpu.dot_dimension_numbers<[1], [0], [0], [1], [0, 0, 1, 1], [], []>, transpose_lhs_hint = false} : vector<512x256xf32>, vector<256x256xf32>, vector<512x256xf32> -> vector<512x256xf32>
    %get3A_41 = arith.constant 0 : index
    %get3A_42 = arith.constant 0 : index
    %get3A_43 = vector.load %arg10[%get3A_41, %get3A_42] : memref<1x256xf32, #tpu.memory_space<vmem>>, vector<1x256xf32>
    %add3A_44 = vector.broadcast %get3A_43 : vector<1x256xf32> to vector<512x256xf32>
    %add3A_45 = arith.addf %dot_general3A_40, %add3A_44 : vector<512x256xf32>
    %get3A_46 = arith.constant 0 : index
    %get3A_47 = arith.constant 0 : index
    %get3A_48 = vector.load %arg7[%get3A_46, %get3A_47] : memref<256x256xf32, #tpu.memory_space<vmem>>, vector<256x256xf32>
    %dot_general3A_49 = arith.constant dense<0.000000e+00> : vector<512x256xf32>
    %dot_general3A_50 = tpu.matmul %get3A_31, %get3A_48, %dot_general3A_49 {dimension_numbers = #tpu.dot_dimension_numbers<[1], [0], [0], [1], [0, 0, 1, 1], [], []>, transpose_lhs_hint = false} : vector<512x256xf32>, vector<256x256xf32>, vector<512x256xf32> -> vector<512x256xf32>
    %sub3A_51 = arith.subf %max3A_28, %dot_general3A_50 : vector<512x256xf32>
    %get3A_52 = arith.constant 0 : index
    %get3A_53 = arith.constant 0 : index
    %get3A_54 = vector.load %arg9[%get3A_52, %get3A_53] : memref<256x256xf32, #tpu.memory_space<vmem>>, vector<256x256xf32>
    %dot_general3A_55 = arith.constant dense<0.000000e+00> : vector<512x256xf32>
    %dot_general3A_56 = tpu.matmul %sub3A_51, %get3A_54, %dot_general3A_55 {dimension_numbers = #tpu.dot_dimension_numbers<[1], [0], [0], [1], [0, 0, 1, 1], [], []>, transpose_lhs_hint = false} : vector<512x256xf32>, vector<256x256xf32>, vector<512x256xf32> -> vector<512x256xf32>
    %get3A_57 = arith.constant 0 : index
    %get3A_58 = arith.constant 0 : index
    %get3A_59 = vector.load %arg8[%get3A_57, %get3A_58] : memref<256x256xf32, #tpu.memory_space<vmem>>, vector<256x256xf32>
    %dot_general3A_60 = arith.constant dense<0.000000e+00> : vector<512x256xf32>
    %dot_general3A_61 = tpu.matmul %get3A_31, %get3A_59, %dot_general3A_60 {dimension_numbers = #tpu.dot_dimension_numbers<[1], [0], [0], [1], [0, 0, 1, 1], [], []>, transpose_lhs_hint = false} : vector<512x256xf32>, vector<256x256xf32>, vector<512x256xf32> -> vector<512x256xf32>
    %add3A_62 = arith.addf %dot_general3A_61, %max3A_28 : vector<512x256xf32>
    %swap3A = arith.constant 0 : index
    %swap3A_63 = arith.constant 0 : index
    %swap3A_64 = vector.load %arg11[%swap3A, %swap3A_63] : memref<512x256xf32, #tpu.memory_space<vmem>>, vector<512x256xf32>
    tpu.vector_store %arg11[%swap3A, %swap3A_63], %add3A_45 {strides = array<i32>} : memref<512x256xf32, #tpu.memory_space<vmem>>, vector<512x256xf32>,
    %bitcast_convert_type3A = tpu.bitcast %add3A_62 : vector<512x256xf32> -> vector<512x256xi32>
    %add3A_65 = arith.constant 32767 : i32
    %add3A_66 = vector.broadcast %add3A_65 : i32 to vector<512x256xi32>
    %add3A_67 = arith.addi %bitcast_convert_type3A, %add3A_66 : vector<512x256xi32>
    %shift_right_arithmetic3A = arith.constant 16 : i32
    %shift_right_arithmetic3A_68 = vector.broadcast %shift_right_arithmetic3A : i32 to vector<512x256xi32>
    %shift_right_arithmetic3A_69 = arith.shrsi %bitcast_convert_type3A, %shift_right_arithmetic3A_68 : vector<512x256xi32>
    %and3A = arith.constant 1 : i32
    %and3A_70 = vector.broadcast %and3A : i32 to vector<512x256xi32>
    %and3A_71 = arith.andi %shift_right_arithmetic3A_69, %and3A_70 : vector<512x256xi32>
    %add3A_72 = arith.addi %add3A_67, %and3A_71 : vector<512x256xi32>
    %and3A_73 = arith.constant -65536 : i32
    %and3A_74 = vector.broadcast %and3A_73 : i32 to vector<512x256xi32>
    %and3A_75 = arith.andi %add3A_72, %and3A_74 : vector<512x256xi32>
    %bitcast_convert_type3A_76 = tpu.bitcast %dot_general3A_56 : vector<512x256xf32> -> vector<512x256xi32>
    %add3A_77 = arith.constant 32767 : i32
    %add3A_78 = vector.broadcast %add3A_77 : i32 to vector<512x256xi32>
    %add3A_79 = arith.addi %bitcast_convert_type3A_76, %add3A_78 : vector<512x256xi32>
    %shift_right_arithmetic3A_80 = arith.constant 16 : i32
    %shift_right_arithmetic3A_81 = vector.broadcast %shift_right_arithmetic3A_80 : i32 to vector<512x256xi32>
    %shift_right_arithmetic3A_82 = arith.shrsi %bitcast_convert_type3A_76, %shift_right_arithmetic3A_81 : vector<512x256xi32>
    %and3A_83 = arith.constant 1 : i32
    %and3A_84 = vector.broadcast %and3A_83 : i32 to vector<512x256xi32>
    %and3A_85 = arith.andi %shift_right_arithmetic3A_82, %and3A_84 : vector<512x256xi32>
    %add3A_86 = arith.addi %add3A_79, %and3A_85 : vector<512x256xi32>
    %and3A_87 = arith.constant -65536 : i32
    %and3A_88 = vector.broadcast %and3A_87 : i32 to vector<512x256xi32>
    %and3A_89 = arith.andi %add3A_86, %and3A_88 : vector<512x256xi32>
    %shift_right_logical3A = arith.constant 16 : i32
    %shift_right_logical3A_90 = vector.broadcast %shift_right_logical3A : i32 to vector<512x256xi32>
    %shift_right_logical3A_91 = arith.shrui %and3A_89, %shift_right_logical3A_90 : vector<512x256xi32>
    %or3A = arith.ori %and3A_75, %shift_right_logical3A_91 : vector<512x256xi32>
    %swap3A_92 = arith.constant 0 : index
    %swap3A_93 = arith.constant 0 : index
    %swap3A_94 = vector.load %arg12[%swap3A_92, %swap3A_93] : memref<512x256xi32, #tpu.memory_space<vmem>>, vector<512x256xi32>
    tpu.vector_store %arg12[%swap3A_92, %swap3A_93], %or3A {strides = array<i32>} : memref<512x256xi32, #tpu.memory_space<vmem>>, vector<512x256xi32>,
    return
  }
  func.func @transform_0(%arg0: i32) -> (i32, i32) {
    %c0_i32 = arith.constant 0 : i32
    %c0_i32_0 = arith.constant 0 : i32
    return %arg0, %c0_i32 : i32, i32
  }
  func.func @transform_1(%arg0: i32) -> (i32, i32) {
    %c0_i32 = arith.constant 0 : i32
    %c0_i32_0 = arith.constant 0 : i32
    %c0_i32_1 = arith.constant 0 : i32
    return %c0_i32, %c0_i32_0 : i32, i32
  }
  func.func @transform_2(%arg0: i32) -> (i32, i32) {
    %c0_i32 = arith.constant 0 : i32
    %c0_i32_0 = arith.constant 0 : i32
    %c0_i32_1 = arith.constant 0 : i32
    return %c0_i32, %c0_i32_0 : i32, i32
  }
  func.func @transform_3(%arg0: i32) -> (i32, i32) {
    %c0_i32 = arith.constant 0 : i32
    %c0_i32_0 = arith.constant 0 : i32
    %c0_i32_1 = arith.constant 0 : i32
    return %c0_i32, %c0_i32_0 : i32, i32
  }
  func.func @transform_4(%arg0: i32) -> (i32, i32) {
    %c0_i32 = arith.constant 0 : i32
    %c0_i32_0 = arith.constant 0 : i32
    return %arg0, %c0_i32 : i32, i32
  }
  func.func @transform_5(%arg0: i32) -> (i32, i32) {
    %c0_i32 = arith.constant 0 : i32
    %c0_i32_0 = arith.constant 0 : i32
    %c0_i32_1 = arith.constant 0 : i32
    return %c0_i32, %c0_i32_0 : i32, i32
  }
  func.func @transform_6(%arg0: i32) -> (i32, i32) {
    %c0_i32 = arith.constant 0 : i32
    %c0_i32_0 = arith.constant 0 : i32
    %c0_i32_1 = arith.constant 0 : i32
    return %c0_i32, %c0_i32_0 : i32, i32
  }
  func.func @transform_7(%arg0: i32) -> (i32, i32) {
    %c0_i32 = arith.constant 0 : i32
    %c0_i32_0 = arith.constant 0 : i32
    %c0_i32_1 = arith.constant 0 : i32
    return %c0_i32, %c0_i32_0 : i32, i32
  }
  func.func @transform_8(%arg0: i32) -> (i32, i32) {
    %c0_i32 = arith.constant 0 : i32
    %c0_i32_0 = arith.constant 0 : i32
    %c0_i32_1 = arith.constant 0 : i32
    return %c0_i32, %c0_i32_0 : i32, i32
  }
  func.func @transform_9(%arg0: i32) -> (i32, i32) {
    %c0_i32 = arith.constant 0 : i32
    %c0_i32_0 = arith.constant 0 : i32
    %c0_i32_1 = arith.constant 0 : i32
    return %c0_i32, %c0_i32_0 : i32, i32
  }
  func.func @transform_10(%arg0: i32) -> (i32, i32) {
    %c0_i32 = arith.constant 0 : i32
    %c0_i32_0 = arith.constant 0 : i32
    return %arg0, %c0_i32 : i32, i32
  }
  func.func @transform_11(%arg0: i32) -> (i32, i32) {
    %c0_i32 = arith.constant 0 : i32
    %c0_i32_0 = arith.constant 0 : i32
    return %arg0, %c0_i32 : i32, i32
  }
}

module attributes {stable_mosaic.version = 14 : i64} {
  func.func @body(%arg0: i32, %arg1: memref<2048x256xi32, #tpu.memory_space<vmem>>, %arg2: memref<128x256xf32, #tpu.memory_space<vmem>>, %arg3: memref<16x256xf32, #tpu.memory_space<vmem>>) attributes {dimension_semantics = [#tpu.dimension_semantics<arbitrary>], iteration_bounds = array<i64: 64>, scalar_prefetch = 0 : i64, scratch_operands = 0 : i64, tpu.core_type = #tpu.core_type<tc>, window_params = [{transform_indices = @transform_0, window_bounds = array<i64: 2048, 256>}, {transform_indices = @transform_1, window_bounds = array<i64: 128, 256>}, {pipeline_mode = #tpu.pipeline_mode<synchronous>, transform_indices = @transform_2, window_bounds = array<i64: 16, 256>}]} {
    %get3A = arith.constant 0 : index
    %get3A_0 = arith.constant 0 : index
    %get3A_1 = vector.load %arg1[%get3A, %get3A_0] : memref<2048x256xi32, #tpu.memory_space<vmem>>, vector<2048x256xi32>
    %shift_left3A = arith.constant 16 : i32
    %shift_left3A_2 = vector.broadcast %shift_left3A : i32 to vector<2048x256xi32>
    %shift_left3A_3 = arith.shli %get3A_1, %shift_left3A_2 : vector<2048x256xi32>
    %bitcast_convert_type3A = tpu.bitcast %shift_left3A_3 : vector<2048x256xi32> -> vector<2048x256xf32>
    %reshape3A = vector.shape_cast %bitcast_convert_type3A : vector<2048x256xf32> to vector<128x16x256xf32>
    %get3A_4 = arith.constant 0 : index
    %get3A_5 = arith.constant 0 : index
    %get3A_6 = vector.load %arg2[%get3A_4, %get3A_5] : memref<128x256xf32, #tpu.memory_space<vmem>>, vector<128x256xf32>
    %broadcast_in_dim3A = vector.shape_cast %get3A_6 : vector<128x256xf32> to vector<128x1x256xf32>
    %add3A = vector.broadcast %broadcast_in_dim3A : vector<128x1x256xf32> to vector<128x16x256xf32>
    %add3A_7 = arith.addf %reshape3A, %add3A : vector<128x16x256xf32>
    %reshape3A_8 = vector.shape_cast %add3A_7 : vector<128x16x256xf32> to vector<2048x256xf32>
    %broadcast_in_dim3A_9 = arith.constant 1.000000e+00 : f32
    %broadcast_in_dim3A_10 = vector.broadcast %broadcast_in_dim3A_9 : f32 to vector<8x2048xf32>
    %dot_general3A = arith.constant dense<0.000000e+00> : vector<8x256xf32>
    %dot_general3A_11 = tpu.matmul %broadcast_in_dim3A_10, %reshape3A_8, %dot_general3A {dimension_numbers = #tpu.dot_dimension_numbers<[1], [0], [0], [1], [0, 0, 1, 1], [], []>, transpose_lhs_hint = false} : vector<8x2048xf32>, vector<2048x256xf32>, vector<8x256xf32> -> vector<8x256xf32>
    %mul3A = arith.mulf %reshape3A_8, %reshape3A_8 : vector<2048x256xf32>
    %dot_general3A_12 = arith.constant dense<0.000000e+00> : vector<8x256xf32>
    %dot_general3A_13 = tpu.matmul %broadcast_in_dim3A_10, %mul3A, %dot_general3A_12 {dimension_numbers = #tpu.dot_dimension_numbers<[1], [0], [0], [1], [0, 0, 1, 1], [], []>, transpose_lhs_hint = false} : vector<8x2048xf32>, vector<2048x256xf32>, vector<8x256xf32> -> vector<8x256xf32>
    %concatenate3A = tpu.concatenate %dot_general3A_11, %dot_general3A_13 in 0 : vector<8x256xf32>, vector<8x256xf32> -> vector<16x256xf32>
    %eq3A = arith.constant 0 : i32
    %eq3A_14 = arith.cmpi eq, %arg0, %eq3A : i32
    %convert_element_type3A = arith.extui %eq3A_14 : i1 to i32
    %cond3A = arith.constant 0 : i32
    %cond3A_15 = arith.cmpi ne, %convert_element_type3A, %cond3A : i32
    scf.if %cond3A_15 {
      %swap3A = arith.constant 0 : index
      %swap3A_20 = arith.constant 0 : index
      %swap3A_21 = vector.load %arg3[%swap3A, %swap3A_20] : memref<16x256xf32, #tpu.memory_space<vmem>>, vector<16x256xf32>
      tpu.vector_store %arg3[%swap3A, %swap3A_20], %concatenate3A {strides = array<i32>} : memref<16x256xf32, #tpu.memory_space<vmem>>, vector<16x256xf32>,
    } else {
    }
    %ne3A = arith.constant 0 : i32
    %ne3A_16 = arith.cmpi ne, %arg0, %ne3A : i32
    %convert_element_type3A_17 = arith.extui %ne3A_16 : i1 to i32
    %cond3A_18 = arith.constant 0 : i32
    %cond3A_19 = arith.cmpi ne, %convert_element_type3A_17, %cond3A_18 : i32
    scf.if %cond3A_19 {
      %get3A_20 = arith.constant 0 : index
      %get3A_21 = arith.constant 0 : index
      %get3A_22 = vector.load %arg3[%get3A_20, %get3A_21] : memref<16x256xf32, #tpu.memory_space<vmem>>, vector<16x256xf32>
      %add3A_23 = arith.addf %get3A_22, %concatenate3A : vector<16x256xf32>
      %swap3A = arith.constant 0 : index
      %swap3A_24 = arith.constant 0 : index
      %swap3A_25 = vector.load %arg3[%swap3A, %swap3A_24] : memref<16x256xf32, #tpu.memory_space<vmem>>, vector<16x256xf32>
      tpu.vector_store %arg3[%swap3A, %swap3A_24], %add3A_23 {strides = array<i32>} : memref<16x256xf32, #tpu.memory_space<vmem>>, vector<16x256xf32>,
    } else {
    }
    return
  }
  func.func @transform_0(%arg0: i32) -> (i32, i32) {
    %c0_i32 = arith.constant 0 : i32
    %c0_i32_0 = arith.constant 0 : i32
    return %arg0, %c0_i32 : i32, i32
  }
  func.func @transform_1(%arg0: i32) -> (i32, i32) {
    %c0_i32 = arith.constant 0 : i32
    %c0_i32_0 = arith.constant 0 : i32
    return %arg0, %c0_i32 : i32, i32
  }
  func.func @transform_2(%arg0: i32) -> (i32, i32) {
    %c0_i32 = arith.constant 0 : i32
    %c0_i32_0 = arith.constant 0 : i32
    %c0_i32_1 = arith.constant 0 : i32
    return %c0_i32, %c0_i32_0 : i32, i32
  }
}

module attributes {stable_mosaic.version = 14 : i64} {
  func.func @body(%arg0: i32, %arg1: memref<2048x256xi32, #tpu.memory_space<vmem>>, %arg2: memref<128x256xf32, #tpu.memory_space<vmem>>, %arg3: memref<16x256xf32, #tpu.memory_space<vmem>>, %arg4: memref<1x256xf32, #tpu.memory_space<vmem>>, %arg5: memref<1x256xf32, #tpu.memory_space<vmem>>, %arg6: memref<256x256xf32, #tpu.memory_space<vmem>>, %arg7: memref<1x256xf32, #tpu.memory_space<vmem>>, %arg8: memref<128x256xf32, #tpu.memory_space<vmem>>) attributes {dimension_semantics = [#tpu.dimension_semantics<arbitrary>], iteration_bounds = array<i64: 64>, scalar_prefetch = 0 : i64, scratch_operands = 0 : i64, tpu.core_type = #tpu.core_type<tc>, window_params = [{transform_indices = @transform_0, window_bounds = array<i64: 2048, 256>}, {transform_indices = @transform_1, window_bounds = array<i64: 128, 256>}, {pipeline_mode = #tpu.pipeline_mode<synchronous>, transform_indices = @transform_2, window_bounds = array<i64: 16, 256>}, {pipeline_mode = #tpu.pipeline_mode<synchronous>, transform_indices = @transform_3, window_bounds = array<i64: 1, 256>}, {pipeline_mode = #tpu.pipeline_mode<synchronous>, transform_indices = @transform_4, window_bounds = array<i64: 1, 256>}, {pipeline_mode = #tpu.pipeline_mode<synchronous>, transform_indices = @transform_5, window_bounds = array<i64: 256, 256>}, {pipeline_mode = #tpu.pipeline_mode<synchronous>, transform_indices = @transform_6, window_bounds = array<i64: 1, 256>}, {transform_indices = @transform_7, window_bounds = array<i64: 128, 256>}]} {
    %get3A = arith.constant 0 : index
    %get3A_0 = arith.constant 0 : index
    %get3A_1 = vector.load %arg1[%get3A, %get3A_0] : memref<2048x256xi32, #tpu.memory_space<vmem>>, vector<2048x256xi32>
    %get3A_2 = arith.constant 0 : index
    %get3A_3 = arith.constant 0 : index
    %get3A_4 = vector.load %arg3[%get3A_2, %get3A_3] : memref<16x256xf32, #tpu.memory_space<vmem>>, vector<16x256xf32>
    %slice3A = vector.extract_strided_slice %get3A_4 {offsets = [0, 0], sizes = [8, 256], strides = [1, 1]} : vector<16x256xf32> to vector<8x256xf32>
    %reduce_sum3A = arith.constant dense<0.000000e+00> : vector<256xf32>
    %reduce_sum3A_5 = vector.multi_reduction <add>, %slice3A, %reduce_sum3A [0] : vector<8x256xf32> to vector<256xf32>
    %broadcast_in_dim3A = vector.shape_cast %reduce_sum3A_5 : vector<256xf32> to vector<1x256xf32>
    %div3A = arith.constant 0x49800000 : f32
    %div3A_6 = vector.broadcast %div3A : f32 to vector<1x256xf32>
    %div3A_7 = arith.divf %broadcast_in_dim3A, %div3A_6 : vector<1x256xf32>
    %slice3A_8 = vector.extract_strided_slice %get3A_4 {offsets = [8, 0], sizes = [8, 256], strides = [1, 1]} : vector<16x256xf32> to vector<8x256xf32>
    %reduce_sum3A_9 = arith.constant dense<0.000000e+00> : vector<256xf32>
    %reduce_sum3A_10 = vector.multi_reduction <add>, %slice3A_8, %reduce_sum3A_9 [0] : vector<8x256xf32> to vector<256xf32>
    %broadcast_in_dim3A_11 = vector.shape_cast %reduce_sum3A_10 : vector<256xf32> to vector<1x256xf32>
    %div3A_12 = arith.constant 0x49800000 : f32
    %div3A_13 = vector.broadcast %div3A_12 : f32 to vector<1x256xf32>
    %div3A_14 = arith.divf %broadcast_in_dim3A_11, %div3A_13 : vector<1x256xf32>
    %mul3A = arith.mulf %div3A_7, %div3A_7 : vector<1x256xf32>
    %sub3A = arith.subf %div3A_14, %mul3A : vector<1x256xf32>
    %add3A = arith.constant 9.99999974E-6 : f32
    %add3A_15 = vector.broadcast %add3A : f32 to vector<1x256xf32>
    %add3A_16 = arith.addf %sub3A, %add3A_15 : vector<1x256xf32>
    %rsqrt3A = math.rsqrt %add3A_16 : vector<1x256xf32>
    %get3A_17 = arith.constant 0 : index
    %get3A_18 = arith.constant 0 : index
    %get3A_19 = vector.load %arg4[%get3A_17, %get3A_18] : memref<1x256xf32, #tpu.memory_space<vmem>>, vector<1x256xf32>
    %mul3A_20 = arith.mulf %rsqrt3A, %get3A_19 : vector<1x256xf32>
    %get3A_21 = arith.constant 0 : index
    %get3A_22 = arith.constant 0 : index
    %get3A_23 = vector.load %arg2[%get3A_21, %get3A_22] : memref<128x256xf32, #tpu.memory_space<vmem>>, vector<128x256xf32>
    %sub3A_24 = vector.broadcast %div3A_7 : vector<1x256xf32> to vector<128x256xf32>
    %sub3A_25 = arith.subf %get3A_23, %sub3A_24 : vector<128x256xf32>
    %mul3A_26 = vector.broadcast %mul3A_20 : vector<1x256xf32> to vector<128x256xf32>
    %mul3A_27 = arith.mulf %sub3A_25, %mul3A_26 : vector<128x256xf32>
    %get3A_28 = arith.constant 0 : index
    %get3A_29 = arith.constant 0 : index
    %get3A_30 = vector.load %arg5[%get3A_28, %get3A_29] : memref<1x256xf32, #tpu.memory_space<vmem>>, vector<1x256xf32>
    %add3A_31 = vector.broadcast %get3A_30 : vector<1x256xf32> to vector<128x256xf32>
    %add3A_32 = arith.addf %mul3A_27, %add3A_31 : vector<128x256xf32>
    %shift_left3A = arith.constant 16 : i32
    %shift_left3A_33 = vector.broadcast %shift_left3A : i32 to vector<2048x256xi32>
    %shift_left3A_34 = arith.shli %get3A_1, %shift_left3A_33 : vector<2048x256xi32>
    %bitcast_convert_type3A = tpu.bitcast %shift_left3A_34 : vector<2048x256xi32> -> vector<2048x256xf32>
    %reshape3A = vector.shape_cast %bitcast_convert_type3A : vector<2048x256xf32> to vector<128x16x256xf32>
    %reshape3A_35 = vector.shape_cast %mul3A_20 : vector<1x256xf32> to vector<1x1x256xf32>
    %mul3A_36 = vector.broadcast %reshape3A_35 : vector<1x1x256xf32> to vector<128x16x256xf32>
    %mul3A_37 = arith.mulf %reshape3A, %mul3A_36 : vector<128x16x256xf32>
    %and3A = arith.constant -65536 : i32
    %and3A_38 = vector.broadcast %and3A : i32 to vector<2048x256xi32>
    %and3A_39 = arith.andi %get3A_1, %and3A_38 : vector<2048x256xi32>
    %bitcast_convert_type3A_40 = tpu.bitcast %and3A_39 : vector<2048x256xi32> -> vector<2048x256xf32>
    %reshape3A_41 = vector.shape_cast %bitcast_convert_type3A_40 : vector<2048x256xf32> to vector<128x16x256xf32>
    %broadcast_in_dim3A_42 = vector.shape_cast %add3A_32 : vector<128x256xf32> to vector<128x1x256xf32>
    %add3A_43 = vector.broadcast %broadcast_in_dim3A_42 : vector<128x1x256xf32> to vector<128x16x256xf32>
    %add3A_44 = arith.addf %mul3A_37, %add3A_43 : vector<128x16x256xf32>
    %max3A = arith.constant 0.000000e+00 : f32
    %max3A_45 = vector.broadcast %max3A : f32 to vector<128x16x256xf32>
    %max3A_46 = arith.maximumf %add3A_44, %max3A_45 : vector<128x16x256xf32>
    %reshape3A_47 = vector.shape_cast %max3A_46 : vector<128x16x256xf32> to vector<2048x256xf32>
    %convert_element_type3A = arith.truncf %reshape3A_47 : vector<2048x256xf32> to vector<2048x256xbf16>
    %get3A_48 = arith.constant 0 : index
    %get3A_49 = arith.constant 0 : index
    %get3A_50 = vector.load %arg6[%get3A_48, %get3A_49] : memref<256x256xf32, #tpu.memory_space<vmem>>, vector<256x256xf32>
    %convert_element_type3A_51 = arith.truncf %get3A_50 : vector<256x256xf32> to vector<256x256xbf16>
    %dot_general3A = arith.constant dense<0.000000e+00> : vector<2048x256xf32>
    %dot_general3A_52 = tpu.matmul %convert_element_type3A, %convert_element_type3A_51, %dot_general3A {dimension_numbers = #tpu.dot_dimension_numbers<[1], [0], [0], [1], [0, 0, 1, 1], [], []>, transpose_lhs_hint = false} : vector<2048x256xbf16>, vector<256x256xbf16>, vector<2048x256xf32> -> vector<2048x256xf32>
    %get3A_53 = arith.constant 0 : index
    %get3A_54 = arith.constant 0 : index
    %get3A_55 = vector.load %arg7[%get3A_53, %get3A_54] : memref<1x256xf32, #tpu.memory_space<vmem>>, vector<1x256xf32>
    %add3A_56 = vector.broadcast %get3A_55 : vector<1x256xf32> to vector<2048x256xf32>
    %add3A_57 = arith.addf %dot_general3A_52, %add3A_56 : vector<2048x256xf32>
    %reshape3A_58 = vector.shape_cast %add3A_57 : vector<2048x256xf32> to vector<128x16x256xf32>
    %exp3A = math.exp %reshape3A_58 : vector<128x16x256xf32>
    %reduce_sum3A_59 = arith.constant dense<0.000000e+00> : vector<128x256xf32>
    %reduce_sum3A_60 = vector.multi_reduction <add>, %exp3A, %reduce_sum3A_59 [1] : vector<128x16x256xf32> to vector<128x256xf32>
    %broadcast_in_dim3A_61 = vector.shape_cast %reduce_sum3A_60 : vector<128x256xf32> to vector<128x1x256xf32>
    %div3A_62 = arith.constant 1.000000e+00 : f32
    %div3A_63 = vector.broadcast %div3A_62 : f32 to vector<128x1x256xf32>
    %div3A_64 = arith.divf %div3A_63, %broadcast_in_dim3A_61 : vector<128x1x256xf32>
    %mul3A_65 = arith.mulf %exp3A, %reshape3A_41 : vector<128x16x256xf32>
    %reduce_sum3A_66 = arith.constant dense<0.000000e+00> : vector<128x256xf32>
    %reduce_sum3A_67 = vector.multi_reduction <add>, %mul3A_65, %reduce_sum3A_66 [1] : vector<128x16x256xf32> to vector<128x256xf32>
    %reshape3A_68 = vector.shape_cast %div3A_64 : vector<128x1x256xf32> to vector<128x256xf32>
    %mul3A_69 = arith.mulf %reduce_sum3A_67, %reshape3A_68 : vector<128x256xf32>
    %swap3A = arith.constant 0 : index
    %swap3A_70 = arith.constant 0 : index
    %swap3A_71 = vector.load %arg8[%swap3A, %swap3A_70] : memref<128x256xf32, #tpu.memory_space<vmem>>, vector<128x256xf32>
    tpu.vector_store %arg8[%swap3A, %swap3A_70], %mul3A_69 {strides = array<i32>} : memref<128x256xf32, #tpu.memory_space<vmem>>, vector<128x256xf32>,
    return
  }
  func.func @transform_0(%arg0: i32) -> (i32, i32) {
    %c0_i32 = arith.constant 0 : i32
    %c0_i32_0 = arith.constant 0 : i32
    return %arg0, %c0_i32 : i32, i32
  }
  func.func @transform_1(%arg0: i32) -> (i32, i32) {
    %c0_i32 = arith.constant 0 : i32
    %c0_i32_0 = arith.constant 0 : i32
    return %arg0, %c0_i32 : i32, i32
  }
  func.func @transform_2(%arg0: i32) -> (i32, i32) {
    %c0_i32 = arith.constant 0 : i32
    %c0_i32_0 = arith.constant 0 : i32
    %c0_i32_1 = arith.constant 0 : i32
    return %c0_i32, %c0_i32_0 : i32, i32
  }
  func.func @transform_3(%arg0: i32) -> (i32, i32) {
    %c0_i32 = arith.constant 0 : i32
    %c0_i32_0 = arith.constant 0 : i32
    %c0_i32_1 = arith.constant 0 : i32
    return %c0_i32, %c0_i32_0 : i32, i32
  }
  func.func @transform_4(%arg0: i32) -> (i32, i32) {
    %c0_i32 = arith.constant 0 : i32
    %c0_i32_0 = arith.constant 0 : i32
    %c0_i32_1 = arith.constant 0 : i32
    return %c0_i32, %c0_i32_0 : i32, i32
  }
  func.func @transform_5(%arg0: i32) -> (i32, i32) {
    %c0_i32 = arith.constant 0 : i32
    %c0_i32_0 = arith.constant 0 : i32
    %c0_i32_1 = arith.constant 0 : i32
    return %c0_i32, %c0_i32_0 : i32, i32
  }
  func.func @transform_6(%arg0: i32) -> (i32, i32) {
    %c0_i32 = arith.constant 0 : i32
    %c0_i32_0 = arith.constant 0 : i32
    %c0_i32_1 = arith.constant 0 : i32
    return %c0_i32, %c0_i32_0 : i32, i32
  }
  func.func @transform_7(%arg0: i32) -> (i32, i32) {
    %c0_i32 = arith.constant 0 : i32
    %c0_i32_0 = arith.constant 0 : i32
    return %arg0, %c0_i32 : i32, i32
  }
}

module attributes {stable_mosaic.version = 14 : i64} {
  func.func @body(%arg0: i32, %arg1: memref<512x256xf32, #tpu.memory_space<vmem>>, %arg2: memref<512x128xf32, #tpu.memory_space<vmem>>, %arg3: memref<256x256xf32, #tpu.memory_space<vmem>>, %arg4: memref<128x256xf32, #tpu.memory_space<vmem>>, %arg5: memref<1x256xf32, #tpu.memory_space<vmem>>, %arg6: memref<512x256xf32, #tpu.memory_space<vmem>>, %arg7: memref<8x256xf32, #tpu.memory_space<vmem>>) attributes {dimension_semantics = [#tpu.dimension_semantics<arbitrary>], iteration_bounds = array<i64: 16>, scalar_prefetch = 0 : i64, scratch_operands = 0 : i64, tpu.core_type = #tpu.core_type<tc>, window_params = [{transform_indices = @transform_0, window_bounds = array<i64: 512, 256>}, {transform_indices = @transform_1, window_bounds = array<i64: 512, 128>}, {pipeline_mode = #tpu.pipeline_mode<synchronous>, transform_indices = @transform_2, window_bounds = array<i64: 256, 256>}, {pipeline_mode = #tpu.pipeline_mode<synchronous>, transform_indices = @transform_3, window_bounds = array<i64: 128, 256>}, {pipeline_mode = #tpu.pipeline_mode<synchronous>, transform_indices = @transform_4, window_bounds = array<i64: 1, 256>}, {transform_indices = @transform_5, window_bounds = array<i64: 512, 256>}, {pipeline_mode = #tpu.pipeline_mode<synchronous>, transform_indices = @transform_6, window_bounds = array<i64: 8, 256>}]} {
    %get3A = arith.constant 0 : index
    %get3A_0 = arith.constant 0 : index
    %get3A_1 = vector.load %arg1[%get3A, %get3A_0] : memref<512x256xf32, #tpu.memory_space<vmem>>, vector<512x256xf32>
    %get3A_2 = arith.constant 0 : index
    %get3A_3 = arith.constant 0 : index
    %get3A_4 = vector.load %arg3[%get3A_2, %get3A_3] : memref<256x256xf32, #tpu.memory_space<vmem>>, vector<256x256xf32>
    %dot_general3A = arith.constant dense<0.000000e+00> : vector<512x256xf32>
    %dot_general3A_5 = tpu.matmul %get3A_1, %get3A_4, %dot_general3A {dimension_numbers = #tpu.dot_dimension_numbers<[1], [0], [0], [1], [0, 0, 1, 1], [], []>, transpose_lhs_hint = false} : vector<512x256xf32>, vector<256x256xf32>, vector<512x256xf32> -> vector<512x256xf32>
    %get3A_6 = arith.constant 0 : index
    %get3A_7 = arith.constant 0 : index
    %get3A_8 = vector.load %arg2[%get3A_6, %get3A_7] : memref<512x128xf32, #tpu.memory_space<vmem>>, vector<512x128xf32>
    %get3A_9 = arith.constant 0 : index
    %get3A_10 = arith.constant 0 : index
    %get3A_11 = vector.load %arg4[%get3A_9, %get3A_10] : memref<128x256xf32, #tpu.memory_space<vmem>>, vector<128x256xf32>
    %dot_general3A_12 = arith.constant dense<0.000000e+00> : vector<512x256xf32>
    %dot_general3A_13 = tpu.matmul %get3A_8, %get3A_11, %dot_general3A_12 {dimension_numbers = #tpu.dot_dimension_numbers<[1], [0], [0], [1], [0, 0, 1, 1], [], []>, transpose_lhs_hint = false} : vector<512x128xf32>, vector<128x256xf32>, vector<512x256xf32> -> vector<512x256xf32>
    %add3A = arith.addf %dot_general3A_5, %dot_general3A_13 : vector<512x256xf32>
    %get3A_14 = arith.constant 0 : index
    %get3A_15 = arith.constant 0 : index
    %get3A_16 = vector.load %arg5[%get3A_14, %get3A_15] : memref<1x256xf32, #tpu.memory_space<vmem>>, vector<1x256xf32>
    %add3A_17 = vector.broadcast %get3A_16 : vector<1x256xf32> to vector<512x256xf32>
    %add3A_18 = arith.addf %add3A, %add3A_17 : vector<512x256xf32>
    %swap3A = arith.constant 0 : index
    %swap3A_19 = arith.constant 0 : index
    %swap3A_20 = vector.load %arg6[%swap3A, %swap3A_19] : memref<512x256xf32, #tpu.memory_space<vmem>>, vector<512x256xf32>
    tpu.vector_store %arg6[%swap3A, %swap3A_19], %add3A_18 {strides = array<i32>} : memref<512x256xf32, #tpu.memory_space<vmem>>, vector<512x256xf32>,
    %reduce_sum3A = arith.constant dense<0.000000e+00> : vector<256xf32>
    %reduce_sum3A_21 = vector.multi_reduction <add>, %add3A_18, %reduce_sum3A [0] : vector<512x256xf32> to vector<256xf32>
    %broadcast_in_dim3A = vector.shape_cast %reduce_sum3A_21 : vector<256xf32> to vector<1x256xf32>
    %mul3A = arith.mulf %add3A_18, %add3A_18 : vector<512x256xf32>
    %reduce_sum3A_22 = arith.constant dense<0.000000e+00> : vector<256xf32>
    %reduce_sum3A_23 = vector.multi_reduction <add>, %mul3A, %reduce_sum3A_22 [0] : vector<512x256xf32> to vector<256xf32>
    %broadcast_in_dim3A_24 = vector.shape_cast %reduce_sum3A_23 : vector<256xf32> to vector<1x256xf32>
    %broadcast_in_dim3A_25 = arith.constant 0.000000e+00 : f32
    %broadcast_in_dim3A_26 = vector.broadcast %broadcast_in_dim3A_25 : f32 to vector<6x256xf32>
    %concatenate3A = tpu.concatenate %broadcast_in_dim3A, %broadcast_in_dim3A_24, %broadcast_in_dim3A_26 in 0 : vector<1x256xf32>, vector<1x256xf32>, vector<6x256xf32> -> vector<8x256xf32>
    %eq3A = arith.constant 0 : i32
    %eq3A_27 = arith.cmpi eq, %arg0, %eq3A : i32
    %convert_element_type3A = arith.extui %eq3A_27 : i1 to i32
    %cond3A = arith.constant 0 : i32
    %cond3A_28 = arith.cmpi ne, %convert_element_type3A, %cond3A : i32
    scf.if %cond3A_28 {
      %swap3A_33 = arith.constant 0 : index
      %swap3A_34 = arith.constant 0 : index
      %swap3A_35 = vector.load %arg7[%swap3A_33, %swap3A_34] : memref<8x256xf32, #tpu.memory_space<vmem>>, vector<8x256xf32>
      tpu.vector_store %arg7[%swap3A_33, %swap3A_34], %concatenate3A {strides = array<i32>} : memref<8x256xf32, #tpu.memory_space<vmem>>, vector<8x256xf32>,
    } else {
    }
    %ne3A = arith.constant 0 : i32
    %ne3A_29 = arith.cmpi ne, %arg0, %ne3A : i32
    %convert_element_type3A_30 = arith.extui %ne3A_29 : i1 to i32
    %cond3A_31 = arith.constant 0 : i32
    %cond3A_32 = arith.cmpi ne, %convert_element_type3A_30, %cond3A_31 : i32
    scf.if %cond3A_32 {
      %get3A_33 = arith.constant 0 : index
      %get3A_34 = arith.constant 0 : index
      %get3A_35 = vector.load %arg7[%get3A_33, %get3A_34] : memref<8x256xf32, #tpu.memory_space<vmem>>, vector<8x256xf32>
      %add3A_36 = arith.addf %get3A_35, %concatenate3A : vector<8x256xf32>
      %swap3A_37 = arith.constant 0 : index
      %swap3A_38 = arith.constant 0 : index
      %swap3A_39 = vector.load %arg7[%swap3A_37, %swap3A_38] : memref<8x256xf32, #tpu.memory_space<vmem>>, vector<8x256xf32>
      tpu.vector_store %arg7[%swap3A_37, %swap3A_38], %add3A_36 {strides = array<i32>} : memref<8x256xf32, #tpu.memory_space<vmem>>, vector<8x256xf32>,
    } else {
    }
    return
  }
  func.func @transform_0(%arg0: i32) -> (i32, i32) {
    %c0_i32 = arith.constant 0 : i32
    %c0_i32_0 = arith.constant 0 : i32
    return %arg0, %c0_i32 : i32, i32
  }
  func.func @transform_1(%arg0: i32) -> (i32, i32) {
    %c0_i32 = arith.constant 0 : i32
    %c0_i32_0 = arith.constant 0 : i32
    return %arg0, %c0_i32 : i32, i32
  }
  func.func @transform_2(%arg0: i32) -> (i32, i32) {
    %c0_i32 = arith.constant 0 : i32
    %c0_i32_0 = arith.constant 0 : i32
    %c0_i32_1 = arith.constant 0 : i32
    return %c0_i32, %c0_i32_0 : i32, i32
  }
  func.func @transform_3(%arg0: i32) -> (i32, i32) {
    %c0_i32 = arith.constant 0 : i32
    %c0_i32_0 = arith.constant 0 : i32
    %c0_i32_1 = arith.constant 0 : i32
    return %c0_i32, %c0_i32_0 : i32, i32
  }
  func.func @transform_4(%arg0: i32) -> (i32, i32) {
    %c0_i32 = arith.constant 0 : i32
    %c0_i32_0 = arith.constant 0 : i32
    %c0_i32_1 = arith.constant 0 : i32
    return %c0_i32, %c0_i32_0 : i32, i32
  }
  func.func @transform_5(%arg0: i32) -> (i32, i32) {
    %c0_i32 = arith.constant 0 : i32
    %c0_i32_0 = arith.constant 0 : i32
    return %arg0, %c0_i32 : i32, i32
  }
  func.func @transform_6(%arg0: i32) -> (i32, i32) {
    %c0_i32 = arith.constant 0 : i32
    %c0_i32_0 = arith.constant 0 : i32
    %c0_i32_1 = arith.constant 0 : i32
    return %c0_i32, %c0_i32_0 : i32, i32
  }
}

module attributes {stable_mosaic.version = 14 : i64} {
  func.func @body(%arg0: i32, %arg1: memref<512x256xf32, #tpu.memory_space<vmem>>, %arg2: memref<8x256xf32, #tpu.memory_space<vmem>>, %arg3: memref<1x256xf32, #tpu.memory_space<vmem>>, %arg4: memref<1x256xf32, #tpu.memory_space<vmem>>, %arg5: memref<512x256xf32, #tpu.memory_space<vmem>>) attributes {dimension_semantics = [#tpu.dimension_semantics<arbitrary>], iteration_bounds = array<i64: 16>, scalar_prefetch = 0 : i64, scratch_operands = 0 : i64, tpu.core_type = #tpu.core_type<tc>, window_params = [{transform_indices = @transform_0, window_bounds = array<i64: 512, 256>}, {pipeline_mode = #tpu.pipeline_mode<synchronous>, transform_indices = @transform_1, window_bounds = array<i64: 8, 256>}, {pipeline_mode = #tpu.pipeline_mode<synchronous>, transform_indices = @transform_2, window_bounds = array<i64: 1, 256>}, {pipeline_mode = #tpu.pipeline_mode<synchronous>, transform_indices = @transform_3, window_bounds = array<i64: 1, 256>}, {transform_indices = @transform_4, window_bounds = array<i64: 512, 256>}]} {
    %get3A = arith.constant 0 : index
    %get3A_0 = arith.constant 0 : index
    %get3A_1 = vector.load %arg2[%get3A, %get3A_0] : memref<8x256xf32, #tpu.memory_space<vmem>>, vector<8x256xf32>
    %slice3A = vector.extract_strided_slice %get3A_1 {offsets = [0, 0], sizes = [1, 256], strides = [1, 1]} : vector<8x256xf32> to vector<1x256xf32>
    %div3A = arith.constant 8.192000e+03 : f32
    %div3A_2 = vector.broadcast %div3A : f32 to vector<1x256xf32>
    %div3A_3 = arith.divf %slice3A, %div3A_2 : vector<1x256xf32>
    %slice3A_4 = vector.extract_strided_slice %get3A_1 {offsets = [1, 0], sizes = [1, 256], strides = [1, 1]} : vector<8x256xf32> to vector<1x256xf32>
    %div3A_5 = arith.constant 8.192000e+03 : f32
    %div3A_6 = vector.broadcast %div3A_5 : f32 to vector<1x256xf32>
    %div3A_7 = arith.divf %slice3A_4, %div3A_6 : vector<1x256xf32>
    %mul3A = arith.mulf %div3A_3, %div3A_3 : vector<1x256xf32>
    %sub3A = arith.subf %div3A_7, %mul3A : vector<1x256xf32>
    %add3A = arith.constant 9.99999974E-6 : f32
    %add3A_8 = vector.broadcast %add3A : f32 to vector<1x256xf32>
    %add3A_9 = arith.addf %sub3A, %add3A_8 : vector<1x256xf32>
    %rsqrt3A = math.rsqrt %add3A_9 : vector<1x256xf32>
    %get3A_10 = arith.constant 0 : index
    %get3A_11 = arith.constant 0 : index
    %get3A_12 = vector.load %arg1[%get3A_10, %get3A_11] : memref<512x256xf32, #tpu.memory_space<vmem>>, vector<512x256xf32>
    %sub3A_13 = vector.broadcast %div3A_3 : vector<1x256xf32> to vector<512x256xf32>
    %sub3A_14 = arith.subf %get3A_12, %sub3A_13 : vector<512x256xf32>
    %mul3A_15 = vector.broadcast %rsqrt3A : vector<1x256xf32> to vector<512x256xf32>
    %mul3A_16 = arith.mulf %sub3A_14, %mul3A_15 : vector<512x256xf32>
    %get3A_17 = arith.constant 0 : index
    %get3A_18 = arith.constant 0 : index
    %get3A_19 = vector.load %arg3[%get3A_17, %get3A_18] : memref<1x256xf32, #tpu.memory_space<vmem>>, vector<1x256xf32>
    %mul3A_20 = vector.broadcast %get3A_19 : vector<1x256xf32> to vector<512x256xf32>
    %mul3A_21 = arith.mulf %mul3A_16, %mul3A_20 : vector<512x256xf32>
    %get3A_22 = arith.constant 0 : index
    %get3A_23 = arith.constant 0 : index
    %get3A_24 = vector.load %arg4[%get3A_22, %get3A_23] : memref<1x256xf32, #tpu.memory_space<vmem>>, vector<1x256xf32>
    %add3A_25 = vector.broadcast %get3A_24 : vector<1x256xf32> to vector<512x256xf32>
    %add3A_26 = arith.addf %mul3A_21, %add3A_25 : vector<512x256xf32>
    %max3A = arith.constant 0.000000e+00 : f32
    %max3A_27 = vector.broadcast %max3A : f32 to vector<512x256xf32>
    %max3A_28 = arith.maximumf %add3A_26, %max3A_27 : vector<512x256xf32>
    %swap3A = arith.constant 0 : index
    %swap3A_29 = arith.constant 0 : index
    %swap3A_30 = vector.load %arg5[%swap3A, %swap3A_29] : memref<512x256xf32, #tpu.memory_space<vmem>>, vector<512x256xf32>
    tpu.vector_store %arg5[%swap3A, %swap3A_29], %max3A_28 {strides = array<i32>} : memref<512x256xf32, #tpu.memory_space<vmem>>, vector<512x256xf32>,
    return
  }
  func.func @transform_0(%arg0: i32) -> (i32, i32) {
    %c0_i32 = arith.constant 0 : i32
    %c0_i32_0 = arith.constant 0 : i32
    return %arg0, %c0_i32 : i32, i32
  }
  func.func @transform_1(%arg0: i32) -> (i32, i32) {
    %c0_i32 = arith.constant 0 : i32
    %c0_i32_0 = arith.constant 0 : i32
    %c0_i32_1 = arith.constant 0 : i32
    return %c0_i32, %c0_i32_0 : i32, i32
  }
  func.func @transform_2(%arg0: i32) -> (i32, i32) {
    %c0_i32 = arith.constant 0 : i32
    %c0_i32_0 = arith.constant 0 : i32
    %c0_i32_1 = arith.constant 0 : i32
    return %c0_i32, %c0_i32_0 : i32, i32
  }
  func.func @transform_3(%arg0: i32) -> (i32, i32) {
    %c0_i32 = arith.constant 0 : i32
    %c0_i32_0 = arith.constant 0 : i32
    %c0_i32_1 = arith.constant 0 : i32
    return %c0_i32, %c0_i32_0 : i32, i32
  }
  func.func @transform_4(%arg0: i32) -> (i32, i32) {
    %c0_i32 = arith.constant 0 : i32
    %c0_i32_0 = arith.constant 0 : i32
    return %arg0, %c0_i32 : i32, i32
  }
}

</mosaic_0001>

<sc_bundles>
// kernel: kernel.11.cloned.1.call-start
scs
__scs_entry_jumppad:
0x0: {  	(pc) =	sbr.rel $0x88, $3  }
0x1: {  	(tag) =	ssettag $0x0;
	lr =	simm.s32 $0x1  }
0x2: {  	[smem:$0x3F8B] =	sst lr;
	_ =	strace $0xD0000000  }
0x3: {  	_ = 	snop  }
0x4: {  	_ = 	snop  }
0x5: {  	_ = 	snop  }
0x6: {  	_ = 	snop  }
0x7: {  	_ = 	snop  }
__scs_overlays_trampoline_lowered:
0x8: {  	[smem:$0x3F9A] =	sst s0  }
0x9: {  	[smem:$0x3F9B] =	sst s1  }
0xa: {  	[smem:$0x3F9C] =	sst s2  }
0xb: {  	[smem:$0x3F9D] =	sst s3  }
0xc: {  	[smem:$0x3F9E] =	sst s4  }
0xd: {  	[smem:$0x3F9F] =	sst s5  }
0xe: {  	[smem:$0x3FA0] =	sst s6  }
0xf: {  	[smem:$0x3FA1] =	sst s7  }
0x10: {  	[smem:$0x3FA2] =	sst s8  }
0x11: {  	[smem:$0x3FA3] =	sst s9;
	s0 =	simm.s32 @!p0 $0x0  }
0x12: {  	s1 =	sld [smem:$0x3F89];
	s0 =	simm.s32 @p0 $0x1  }
0x13: {  	[smem:$0x3FA4] =	sst s0;
	s0 =	simm.s32 @!p1 $0x0  }
0x14: {  	s2 =	sld [smem:$0x3F88];
	s0 =	simm.s32 @p1 $0x1  }
0x15: {  	[smem:$0x3FA5] =	sst s0;
	s0 =	simm.s32 @!p2 $0x0  }
0x16: {  	s3 =	sld [smem:$0x3FDB];
	s0 =	simm.s32 @p2 $0x1  }
0x17: {  	s4 =	simm.s32 $0x1BF5;
	[smem:$0x3FA7] =	sst s0  }
0x18: {  	s0 =	sld [smem:$0x3F8A];
	_ =	swait.ge [sflag:s4], $0x0  }
0x19: {  	s7 =	sld [smem:$0x3F8B]  }
0x1a: {  	s8 =	sadd.s32 $0xFFFFE003, lr  }
0x1b: {  	s9 =	sadd.s32 $0xFFFFFEF7, lr;
	s5 =	simm.s32 $0xFFFFFFFF;
	p2 =	slt.u32 s8, $0xFFFFF086  }
0x1c: {  	p1 =	slt.u32 s9, $0xF7A;
	s5 =	simm.s32 @!p2 $0x0  }
0x1d: {  	s5 =	simm.s32 @p1 $0x1;
	p0 =	seq.s32 s7, s2  }
0x1e: {  	s7 =	smul.u32 @!p0 $0xF7A, s2;
	p2 =	seq.s32 @!p0 s5, $0x0  }
0x1f: {  	s9 =	smul.u32 $0xF7A, s1;
	s8 =	simm.s32 @!p0 $0x1BF5;
	p2 =	por !p2, p0  }
0x20: {  	[sflag:s8] =	ssyncset.s32 @!p0 $0xFFFFF086;
	s6 =	sadd.s32 @!p0 s3, s7;
	s7 =	simm.s32 @!p0 $0x108  }
0x21: {  	s3 =	sadd.s32 s3, s9;
	s6 =	sadd.s32 @!p0 $0x88, s6;
	s7 =	simm.s32 @p2 $0x1082  }
0x22: {  	[simem:s7], [sflag:s8] =	dma.local @!p0 [hbm:s6], $0xF7A  }
0x23: {  	s9 =	sor.u32 $0xD0000000, s2;
	s6 =	simm.s32 $0x108;
	_ =	swait.ge @!p0 [sflag:s8], $0x0  }
0x24: {  	s3 =	sadd.s32 $0x88, s3;
	s6 =	simm.s32 @!p1 $0x1082;
	[sflag:s4] =	ssyncset.s32 $0xFFFFF086  }
0x25: {  	[simem:s6], [sflag:s4] =	dma.local [hbm:s3], $0xF7A  }
0x26: {  	[smem:$0x3F8B] =	sst s1;
	(tag) =	ssettag s2;
	_ =	strace s9  }
0x27: {  	s1 =	sld [smem:$0x3F9B]  }
0x28: {  	s2 =	sld [smem:$0x3F9C]  }
0x29: {  	s4 =	sld [smem:$0x3F9E]  }
0x2a: {  	p0 =	seq.s32 s5, $0x0;
	s5 =	sld [smem:$0x3F9F]  }
0x2b: {  	s6 =	sld [smem:$0x3FA0]  }
0x2c: {  	s7 =	sld [smem:$0x3FA1]  }
0x2d: {  	s3 =	simm.s32 $0x108;
	s8 =	sld [smem:$0x3FA2]  }
0x2e: {  	s3 =	simm.s32 @!p0 $0x1082;
	s9 =	sld [smem:$0x3FA3]  }
0x2f: {  	lr =	sadd.s32 s0, s3;
	s0 =	sld [smem:$0x3F9A]  }
0x30: {  	s3 =	sld [smem:$0x3F9D]  }
0x31: {  	[smem:$0x3FA6] =	sst s10  }
0x32: {  	s10 =	sld [smem:$0x3FA4];
	_ =	sdelay $0x3  }
0x33: {  	p0 =	seq.s32 s10, $0x1;
	s10 =	sld [smem:$0x3FA6];
	_ =	sdelay $0x3  }
0x34: {  	[smem:$0x3FA6] =	sst s10  }
0x35: {  	s10 =	sld [smem:$0x3FA5];
	_ =	sdelay $0x3  }
0x36: {  	p1 =	seq.s32 s10, $0x1;
	s10 =	sld [smem:$0x3FA6];
	_ =	sdelay $0x3  }
0x37: {  	[smem:$0x3FA6] =	sst s10  }
0x38: {  	s10 =	sld [smem:$0x3FA7]  }
0x39: {  	_ = 	snop;
	(pc) =	sbr.ind lr, $3  }
0x3a: {  	_ = 	snop  }
0x3b: {  	_ = 	snop  }
0x3c: {  	p2 =	seq.s32 s10, $0x1;
	s10 =	sld [smem:$0x3FA6]  }
0x3d: {  	_ =	shalt  }
0x3e: {  	_ =	shalt  }
0x3f: {  	_ =	shalt  }
0x40: {  	_ =	shalt  }
0x41: {  	_ =	shalt  }
0x42: {  	_ =	shalt  }
0x43: {  	_ =	shalt  }
0x44: {  	_ =	shalt  }
0x45: {  	_ =	shalt  }
0x46: {  	_ =	shalt  }
0x47: {  	_ =	shalt  }
0x48: {  	_ =	shalt  }
0x49: {  	_ =	shalt  }
0x4a: {  	_ =	shalt  }
0x4b: {  	_ =	shalt  }
0x4c: {  	_ =	shalt  }
0x4d: {  	_ =	shalt  }
0x4e: {  	_ =	shalt  }
0x4f: {  	_ =	shalt  }
0x50: {  	_ =	shalt  }
0x51: {  	_ =	shalt  }
0x52: {  	_ =	shalt  }
0x53: {  	_ =	shalt  }
0x54: {  	_ =	shalt  }
0x55: {  	_ =	shalt  }
0x56: {  	_ =	shalt  }
0x57: {  	_ =	shalt  }
0x58: {  	_ =	shalt  }
0x59: {  	_ =	shalt  }
0x5a: {  	_ =	shalt  }
0x5b: {  	_ =	shalt  }
0x5c: {  	_ =	shalt  }
0x5d: {  	_ =	shalt  }
0x5e: {  	_ =	shalt  }
0x5f: {  	_ =	shalt  }
0x60: {  	_ =	shalt  }
0x61: {  	_ =	shalt  }
0x62: {  	_ =	shalt  }
0x63: {  	_ =	shalt  }
0x64: {  	_ =	shalt  }
0x65: {  	_ =	shalt  }
0x66: {  	_ =	shalt  }
0x67: {  	_ =	shalt  }
0x68: {  	_ =	shalt  }
0x69: {  	_ =	shalt  }
0x6a: {  	_ =	shalt  }
0x6b: {  	_ =	shalt  }
0x6c: {  	_ =	shalt  }
0x6d: {  	_ =	shalt  }
0x6e: {  	_ =	shalt  }
0x6f: {  	_ =	shalt  }
0x70: {  	_ =	shalt  }
0x71: {  	_ =	shalt  }
0x72: {  	_ =	shalt  }
0x73: {  	_ =	shalt  }
0x74: {  	_ =	shalt  }
0x75: {  	_ =	shalt  }
0x76: {  	_ =	shalt  }
0x77: {  	_ =	shalt  }
0x78: {  	_ =	shalt  }
0x79: {  	_ =	shalt  }
0x7a: {  	_ =	shalt  }
0x7b: {  	_ =	shalt  }
0x7c: {  	_ =	shalt  }
0x7d: {  	_ =	shalt  }
0x7e: {  	_ =	shalt  }
0x7f: {  	_ =	shalt  }
0x80: {  	_ =	shalt  }
0x81: {  	_ =	shalt  }
0x82: {  	_ =	shalt  }
0x83: {  	_ =	shalt  }
0x84: {  	_ =	shalt  }
0x85: {  	_ =	shalt  }
0x86: {  	_ =	shalt  }
0x87: {  	_ =	shalt  }
.Lfunc_end0:
.L_simem_size_0:
called_computation_lowered:
.L_overlay_start_0:
0x88: {  	s2 =	sld [smem:$0x3FD9]  }
0x89: {  	s3 =	sld [smem:$0x3FFE];
	_ =	sdelay $0x1  }
0x8a: {  	s1 =	srdreg.scid  }
0x8b: {  	s0 =	sand.u32 $0x1, s1  }
0x8c: {  	s14 =	sshll.u32 s0, $0xA;
	s2 =	sadd.s32 s3, s2  }
0x8d: {  	s2 =	sadd.s32 s2, s14  }
0x8e: {  	[smem:$0x3FB2] =	sst s2  }
0x8f: {  	_ = 	snop  }
0x90: {  	s2 =	sld [smem:$0x3FD0];
	_ =	sdelay $0x2  }
0x91: {  	s15 =	simm.s32 $0xA;
	s4 =	simm.s32 $0x10  }
0x92: {  	[smem:s4], [sflag:s15] =	dma.local [hbm:s2], $0x1  }
0x93: {  	_ =	swait.eq [sflag:s15], $0x1  }
0x94: {  	[sflag:s15] =	ssyncset.done $0x0  }
0x95: {  	[sflag:s15] =	ssyncadd.s32 $0xFFFFFFFF  }
0x96: {  	s16 =	sld [smem:$0x11];
	(tm) =	ssettm $0x1  }
0x97: {  	s17 =	sld [smem:$0x3FFB];
	_ =	sdelay $0x3  }
0x98: {  	_ =	strace s17  }
0x99: {  	s3 =	sld [smem:$0x3FFC];
	_ =	sdelay $0x3  }
0x9a: {  	_ =	strace s3  }
0x9b: {  	s3 =	sld [smem:$0x3FFD];
	_ =	sdelay $0x3  }
0x9c: {  	_ =	strace s3  }
0x9d: {  	_ =	strace $0x8FFFFFFF  }
0x9e: {  	s18 =	sld [smem:$0x3FDB];
	_ =	sdelay $0x1  }
0x9f: {  	s19 =	simm.s32 $_scs_section_size  }
0xa0: {  	s5 =	simm.s32 $_size__tile_overlayer_lowered;
	s6 =	simm.s32 $_tile_overlayer_lowered  }
0xa1: {  	s22 =	simm.s32 $0x1BFF;
	s21 =	sshll.u32 s6, $0x1;
	s3 =	sadd.s32 s19, s18  }
0xa2: {  	s7 =	simm.s32 $0x0;
	s20 =	sshll.u32 s5, $0x1;
	s5 =	sadd.s32 s21, s3  }
0xa3: {  	[timem:s7], [sflag:s22] =	dma.local [hbm:s5], s20  }
0xa4: {  	_ =	swait.ge [sflag:s22], s20  }
0xa5: {  	s4 =	ssub.s32 $0x0, s20;
	[sflag:s22] =	ssyncset.done $0x0  }
0xa6: {  	[sflag:s22] =	ssyncadd.s32 s4;
	_ =	sdelay $0x1  }
0xa7: {  	s23 =	simm.s32 $0x1B8B  }
0xa8: {  	_ =	swait.ge [sflag:s23], $0x1  }
0xa9: {  	[sflag:s23] =	ssyncset.done $0x0  }
0xaa: {  	s25 =	simm.s32 $0x1B8E;
	s24 =	sld [smem:$0x3FFE];
	[sflag:s23] =	ssyncadd.s32 $0xFFFFFFFF  }
0xab: {  	s26 =	simm.s32 $execute0_lowered;
	[smem:$0x3FD2] =	sst s25  }
0xac: {  	s5 =	sshll.u32 s26, $0x1;
	_ =	strace $0x80000046;
	[dreg:$0x1] =	wrdreg $0xFFFFFFFF  }
0xad: {  	s28 =	simm.s32 $_size_execute0_lowered;
	s3 =	sadd.s32 s3, s5;
	[dreg:$0x0] =	wrdreg $0x0  }
0xae: {  	s5 =	sshll.u32 s28, $0x1;
	[dreg:$0x2] =	wrdreg s3  }
0xaf: {  	[dreg:$0x3] =	wrdreg s5  }
0xb0: {  	[dreg:$0x4] =	wrdreg $0xC0  }
0xb1: {  	_ =	task [dreg:s7], $0x5FFFF  }
0xb2: {  	[dreg:$0x1] =	wrdreg $0xFFFFFFFF  }
0xb3: {  	[dreg:$0x0] =	wrdreg $0x60  }
0xb4: {  	[dreg:$0x2] =	wrdreg s16  }
0xb5: {  	[dreg:$0x3] =	wrdreg s24  }
0xb6: {  	[dreg:$0x4] =	wrdreg $0x9  }
0xb7: {  	_ =	task.clear_ibuf [dreg:s7], $0x5FFFF;
	_ =	strace $0x90000046  }
0xb8: {  	s29 =	simm.s32 $0x9;
	_ =	strace $0x80000048  }
0xb9: {  	_ =	swait.ge [sflag:s29], $0x1  }
0xba: {  	[sflag:s29] =	ssyncadd.s32 $0xFFFFFFFF  }
0xbb: {  	_ =	strace $0x90000048  }
0xbc: {  	_ =	sfence  }
0xbd: {  	s30 =	sld [smem:$0x0];
	_ =	sdelay $0x2  }
0xbe: {  	s31 =	sshll.u32 s1, $0xD;
	s1 =	sshrl.u32 s1, $0x2  }
0xbf: {  	s3 =	sand.u32 $0x4000, s31;
	s1 =	sadd.s32 s1, s30  }
0xc0: {  	s0 =	sor.u32 s3, s0;
	s1 =	sshll.u32 s1, $0x11  }
0xc1: {  	s0 =	sor.u32 s1, s0  }
0xc2: {  	s0 =	sadd.s32 $0x8F2B, s0  }
0xc3: {  	[sflag:s0] =	ssyncadd.remote.s32 $0x1  }
0xc4: {  	_ =	sfence.sel $0xFFFF  }
0xc5: {  	[dreg:$0x0] =	wrdreg $0xFFFFFFFF;
	(pc) =	sbr.abs _section_cstart, $3  }
0xc6: {  	[dreg:$0x1] =	wrdreg $0xFFFFFFFF  }
0xc7: {  	_ =	task.clear_ibuf [dreg:s7], $0x2FFFF;
	_ =	strace $0x9FFFFFFF  }
0xc8: {  	(tm) =	ssettm $0x7FFFFFFF  }
0xc9: {  	_ =	shalt  }
tec
execute0_lowered:
.L_overlay_start_1:
0x0: {  	(tag) =	ssettag $0x1  }
0x1: {  	s2 =	rddreg [dreg:$0x0];
	s3 =	srdreg.scid  }
0x2: {  	s0 =	rddreg [dreg:$0x1];
	s4 =	sand.u32 $0x1, s3;
	s3 =	simm.s32 $0x0  }
0x3: {  	s8 =	simm.s32 $0x1800;
	[smem:$0x7FF] =	sst s3  }
0x4: {  	s9 =	simm.s32 $0x2000;
	_ =	strace $0x80000047;
	[dreg:$0x4] =	wrdreg s8  }
0x5: {  	s1 =	stileid.u32;
	s10 =	simm.s32 $0x2800;
	[dreg:$0x5] =	wrdreg s9  }
0x6: {  	s11 =	simm.s32 $0x3000;
	s13 =	simm.s32 $0x3800;
	[dreg:$0x6] =	wrdreg s10  }
0x7: {  	s14 =	simm.s32 $0x4000;
	s15 =	simm.s32 $0x4800;
	[dreg:$0x7] =	wrdreg s11  }
0x8: {  	s16 =	simm.s32 $0x5800;
	s17 =	simm.s32 $0x6000;
	[dreg:$0x8] =	wrdreg s13  }
0x9: {  	s18 =	simm.s32 $0x6800;
	s20 =	simm.s32 $0x7000;
	[dreg:$0x9] =	wrdreg s14  }
0xa: {  	s21 =	simm.s32 $0x7800;
	s22 =	simm.s32 $0x8000;
	[dreg:$0xa] =	wrdreg s15  }
0xb: {  	s23 =	simm.s32 $0x8800;
	s24 =	simm.s32 $0x9800;
	[dreg:$0xb] =	wrdreg s16  }
0xc: {  	s25 =	simm.s32 $0xA000;
	s26 =	simm.s32 $0xA800;
	[dreg:$0xc] =	wrdreg s17  }
0xd: {  	s31 =	simm.s32 $0xB000;
	s28 =	simm.s32 $0x7;
	[dreg:$0xd] =	wrdreg s18  }
0xe: {  	s29 =	simm.s32 $0x8;
	s30 =	simm.s32 $0x0;
	[dreg:$0xe] =	wrdreg s20  }
0xf: {  	s5 =	sshll.u32 s1, $0x12;
	s12 =	sshll.u32 s1, $0xD;
	[dreg:$0xf] =	wrdreg s21  }
0x10: {  	s5 =	sadd.s32 s5, s0;
	s6 =	sshll.u32 s4, $0x11;
	[dreg:$0x10] =	wrdreg s22  }
0x11: {  	s7 =	sshll.u32 s4, $0xC;
	s4 =	ssub.s32 $0x2, s4;
	[dreg:$0x11] =	wrdreg s23  }
0x12: {  	s5 =	sadd.s32 s6, s5;
	s6 =	sor.u32 s7, s12;
	[dreg:$0x12] =	wrdreg s24  }
0x13: {  	s19 =	sshrl.u32 s4, $0x1;
	s7 =	simm.s32 $0x1000;
	[dreg:$0x13] =	wrdreg s25  }
0x14: {  	s8 =	simm.s32 $0x5000;
	s9 =	simm.s32 $0x9000;
	[dreg:$0x14] =	wrdreg s26  }
0x15: {  	[dreg:$0x15] =	wrdreg s31;
	s10 =	simm.s32 $0xB800;
	s11 =	simm.s32 $0xC000  }
0x16: {  	s12 =	simm.s32 $0xC800;
	s13 =	simm.s32 $0xD000;
	s14 =	simm.s32 $0xD800  }
0x17: {  	s15 =	simm.s32 $0xE000;
	s16 =	simm.s32 $0xE800;
	s17 =	simm.s32 $0xF000  }
0x18: {  	s18 =	simm.s32 $0xF800;
	s20 =	simm.s32 $0x10800;
	s21 =	simm.s32 $0x1  }
0x19: {  	s22 =	simm.s32 $0x2;
	s23 =	simm.s32 $0x3;
	s24 =	simm.s32 $0x4  }
0x1a: {  	s25 =	simm.s32 $0x5;
	s5 =	sadd.s32 $0x48400, s5;
	s6 =	sshrl.u32 s6, $0x3  }
0x1b: {  	v2 =	vlaneseq.u32;
	s26 =	simm.s32 $0x6;
	[dreg:$0x3] =	wrdreg s5;
	s0 =	sadd.s32 s6, s0  }
0x1c: {  	vm0 =	vmmov $0xffff;
	v1 =	vshrl.u32 v2, $0x3;
	s6 =	ssub.s32 s4, s19;
	s19 =	simm.s32 $0x10000;
	s0 =	sadd.s32 $0x4400, s0  }
0x1d: {  	v0 =	vand.u32 $0x7, v2;
	v2 =	vor.u32 $0x8, v2;
	v1 =	vmul.u32 $0x8, v1;
	s5 =	smax.u32 s6, $0x1;
	s6 =	simm.s32 $0x9;
	[dreg:$0x16] =	wrdreg s0  }
.LBB2_1:
0x1e: {  	s0 =	rddreg [dreg:$0x16]  }
0x1f: {  	[tilespmem:s3], [sflag:$0x9] =	stream.linear.gather [hbm4b:s0+s3], $0x1000, $0x38;
	[tilespmem:$0x11000] =	vst v63  }
0x20: {  	_ =	swait.ge [sflag:s6], $0x1000  }
0x21: {  	[sflag:s6] =	ssyncset.done $0x0  }
0x22: {  	s31 =	simm.s32 $0x80;
	s0 =	simm.s32 $0x0;
	[sflag:s6] =	ssyncadd.s32 $0xFFFFF000  }
.LBB2_2:
0x23: {  	p0 =	seq.s32 s0, $0x0  }
0x24: {  	s1 =	simm.s32 @!p0 $0x5  }
0x25: {  	_ =	swait.ge @!p0 [sflag:s1], $0x4000  }
0x26: {  	[sflag:s1] =	ssyncset.done @!p0 $0x0  }
0x27: {  	[sflag:s1] =	ssyncadd.s32 @!p0 $0xFFFFC000  }
0x28: {  	v3 =	vld [tilespmem:s31+$0xFFFFFF80];
	_ =	sdelay $0x4  }
0x29: {  	v4 =	vshll.u32 v3, $0x1  }
0x2a: {  	v3 =	vand.u32 $0x7, v3;
	v4 =	vand.u32 $0xFFFFFFF0, v4  }
0x2b: {  	v3 =	vor.u32 v3, v4  }
0x2c: {  	v4 =	vperm.xlane v3, v0;
	_ =	sdelay $0x1  }
0x2d: {  	v3 =	vperm.xlane v3, v2;
	v4 =	vadd.s32 v1, v4;
	_ =	sdelay $0x1  }
0x2e: {  	v3 =	vadd.s32 v1, v3;
	_ =	sdelay $0x2  }
0x2f: {  	[tilespmem:s7], [sflag:$0x1] =	stream.indirect_vreg.gather [hbm4b:s2+s3], $0x80, v4, vm0, $0xb8;
	[tilespmem:$0x11000] =	vst v63  }
0x30: {  	s4 =	rddreg [dreg:$0x4]  }
0x31: {  	[tilespmem:s4], [sflag:$0x1] =	stream.indirect_vreg.gather [hbm4b:s2+s3], $0x80, v3, vm0, $0xb8;
	[tilespmem:$0x11000] =	vst v63  }
0x32: {  	v3 =	vld [tilespmem:s31+$0xFFFFFF90];
	_ =	sdelay $0x4  }
0x33: {  	v49 =	vshll.u32 v3, $0x1  }
0x34: {  	v3 =	vand.u32 $0x7, v3;
	v4 =	vand.u32 $0xFFFFFFF0, v49  }
0x35: {  	v3 =	vor.u32 v3, v4  }
0x36: {  	v4 =	vperm.xlane v3, v0;
	_ =	sdelay $0x1  }
0x37: {  	v3 =	vperm.xlane v3, v2;
	v4 =	vadd.s32 v1, v4;
	_ =	sdelay $0x1  }
0x38: {  	v3 =	vadd.s32 v1, v3;
	_ =	sdelay $0x1  }
0x39: {  	s1 =	rddreg [dreg:$0x5]  }
0x3a: {  	[tilespmem:s1], [sflag:$0x1] =	stream.indirect_vreg.gather [hbm4b:s2+s3], $0x80, v4, vm0, $0xb8;
	[tilespmem:$0x11000] =	vst v63  }
0x3b: {  	s4 =	rddreg [dreg:$0x6]  }
0x3c: {  	[tilespmem:s4], [sflag:$0x1] =	stream.indirect_vreg.gather [hbm4b:s2+s3], $0x80, v3, vm0, $0xb8;
	[tilespmem:$0x11000] =	vst v63  }
0x3d: {  	v3 =	vld [tilespmem:s31+$0xFFFFFFA0];
	_ =	sdelay $0x4  }
0x3e: {  	v50 =	vshll.u32 v3, $0x1  }
0x3f: {  	v3 =	vand.u32 $0x7, v3;
	v4 =	vand.u32 $0xFFFFFFF0, v50  }
0x40: {  	v3 =	vor.u32 v3, v4  }
0x41: {  	v4 =	vperm.xlane v3, v0;
	_ =	sdelay $0x1  }
0x42: {  	v3 =	vperm.xlane v3, v2;
	v4 =	vadd.s32 v1, v4;
	_ =	sdelay $0x1  }
0x43: {  	v3 =	vadd.s32 v1, v3;
	_ =	sdelay $0x1  }
0x44: {  	s1 =	rddreg [dreg:$0x7]  }
0x45: {  	[tilespmem:s1], [sflag:$0x1] =	stream.indirect_vreg.gather [hbm4b:s2+s3], $0x80, v4, vm0, $0xb8;
	[tilespmem:$0x11000] =	vst v63  }
0x46: {  	s4 =	rddreg [dreg:$0x8]  }
0x47: {  	[tilespmem:s4], [sflag:$0x1] =	stream.indirect_vreg.gather [hbm4b:s2+s3], $0x80, v3, vm0, $0xb8;
	[tilespmem:$0x11000] =	vst v63  }
0x48: {  	v3 =	vld [tilespmem:s31+$0xFFFFFFB0];
	_ =	sdelay $0x4  }
0x49: {  	v51 =	vshll.u32 v3, $0x1  }
0x4a: {  	v3 =	vand.u32 $0x7, v3;
	v4 =	vand.u32 $0xFFFFFFF0, v51  }
0x4b: {  	v3 =	vor.u32 v3, v4  }
0x4c: {  	v4 =	vperm.xlane v3, v0;
	_ =	sdelay $0x1  }
0x4d: {  	v3 =	vperm.xlane v3, v2;
	v4 =	vadd.s32 v1, v4;
	_ =	sdelay $0x1  }
0x4e: {  	v3 =	vadd.s32 v1, v3;
	_ =	sdelay $0x1  }
0x4f: {  	s1 =	rddreg [dreg:$0x9]  }
0x50: {  	[tilespmem:s1], [sflag:$0x1] =	stream.indirect_vreg.gather [hbm4b:s2+s3], $0x80, v4, vm0, $0xb8;
	[tilespmem:$0x11000] =	vst v63  }
0x51: {  	s4 =	rddreg [dreg:$0xa];
	s1 =	simm.s32 @!p0 $0x6  }
0x52: {  	[tilespmem:s4], [sflag:$0x1] =	stream.indirect_vreg.gather [hbm4b:s2+s3], $0x80, v3, vm0, $0xb8;
	[tilespmem:$0x11000] =	vst v63  }
0x53: {  	_ =	swait.ge @!p0 [sflag:s1], $0x4000  }
0x54: {  	[sflag:s1] =	ssyncset.done @!p0 $0x0  }
0x55: {  	[sflag:s1] =	ssyncadd.s32 @!p0 $0xFFFFC000  }
0x56: {  	v3 =	vld [tilespmem:s31+$0xFFFFFFC0];
	_ =	sdelay $0x4  }
0x57: {  	v52 =	vshll.u32 v3, $0x1  }
0x58: {  	v3 =	vand.u32 $0x7, v3;
	v4 =	vand.u32 $0xFFFFFFF0, v52  }
0x59: {  	v3 =	vor.u32 v3, v4  }
0x5a: {  	v4 =	vperm.xlane v3, v0;
	_ =	sdelay $0x1  }
0x5b: {  	v3 =	vperm.xlane v3, v2;
	v4 =	vadd.s32 v1, v4;
	_ =	sdelay $0x1  }
0x5c: {  	v3 =	vadd.s32 v1, v3;
	_ =	sdelay $0x2  }
0x5d: {  	[tilespmem:s8], [sflag:$0x2] =	stream.indirect_vreg.gather [hbm4b:s2+s3], $0x80, v4, vm0, $0xb8;
	[tilespmem:$0x11000] =	vst v63  }
0x5e: {  	s4 =	rddreg [dreg:$0xb]  }
0x5f: {  	[tilespmem:s4], [sflag:$0x2] =	stream.indirect_vreg.gather [hbm4b:s2+s3], $0x80, v3, vm0, $0xb8;
	[tilespmem:$0x11000] =	vst v63  }
0x60: {  	v3 =	vld [tilespmem:s31+$0xFFFFFFD0];
	_ =	sdelay $0x4  }
0x61: {  	v53 =	vshll.u32 v3, $0x1  }
0x62: {  	v3 =	vand.u32 $0x7, v3;
	v4 =	vand.u32 $0xFFFFFFF0, v53  }
0x63: {  	v3 =	vor.u32 v3, v4  }
0x64: {  	v4 =	vperm.xlane v3, v0;
	_ =	sdelay $0x1  }
0x65: {  	v3 =	vperm.xlane v3, v2;
	v4 =	vadd.s32 v1, v4;
	_ =	sdelay $0x1  }
0x66: {  	v3 =	vadd.s32 v1, v3;
	_ =	sdelay $0x1  }
0x67: {  	s1 =	rddreg [dreg:$0xc]  }
0x68: {  	[tilespmem:s1], [sflag:$0x2] =	stream.indirect_vreg.gather [hbm4b:s2+s3], $0x80, v4, vm0, $0xb8;
	[tilespmem:$0x11000] =	vst v63  }
0x69: {  	s4 =	rddreg [dreg:$0xd]  }
0x6a: {  	[tilespmem:s4], [sflag:$0x2] =	stream.indirect_vreg.gather [hbm4b:s2+s3], $0x80, v3, vm0, $0xb8;
	[tilespmem:$0x11000] =	vst v63  }
0x6b: {  	v3 =	vld [tilespmem:s31+$0xFFFFFFE0];
	_ =	sdelay $0x4  }
0x6c: {  	v54 =	vshll.u32 v3, $0x1  }
0x6d: {  	v3 =	vand.u32 $0x7, v3;
	v4 =	vand.u32 $0xFFFFFFF0, v54  }
0x6e: {  	v3 =	vor.u32 v3, v4  }
0x6f: {  	v4 =	vperm.xlane v3, v0;
	_ =	sdelay $0x1  }
0x70: {  	v3 =	vperm.xlane v3, v2;
	v4 =	vadd.s32 v1, v4;
	_ =	sdelay $0x1  }
0x71: {  	v3 =	vadd.s32 v1, v3;
	_ =	sdelay $0x1  }
0x72: {  	s1 =	rddreg [dreg:$0xe]  }
0x73: {  	[tilespmem:s1], [sflag:$0x2] =	stream.indirect_vreg.gather [hbm4b:s2+s3], $0x80, v4, vm0, $0xb8;
	[tilespmem:$0x11000] =	vst v63  }
0x74: {  	s4 =	rddreg [dreg:$0xf]  }
0x75: {  	[tilespmem:s4], [sflag:$0x2] =	stream.indirect_vreg.gather [hbm4b:s2+s3], $0x80, v3, vm0, $0xb8;
	[tilespmem:$0x11000] =	vst v63  }
0x76: {  	v3 =	vld [tilespmem:s31+$0xFFFFFFF0];
	_ =	sdelay $0x4  }
0x77: {  	v55 =	vshll.u32 v3, $0x1  }
0x78: {  	v3 =	vand.u32 $0x7, v3;
	v4 =	vand.u32 $0xFFFFFFF0, v55  }
0x79: {  	v3 =	vor.u32 v3, v4  }
0x7a: {  	v4 =	vperm.xlane v3, v0;
	_ =	sdelay $0x1  }
0x7b: {  	v3 =	vperm.xlane v3, v2;
	v4 =	vadd.s32 v1, v4;
	_ =	sdelay $0x1  }
0x7c: {  	v3 =	vadd.s32 v1, v3;
	_ =	sdelay $0x1  }
0x7d: {  	s1 =	rddreg [dreg:$0x10]  }
0x7e: {  	[tilespmem:s1], [sflag:$0x2] =	stream.indirect_vreg.gather [hbm4b:s2+s3], $0x80, v4, vm0, $0xb8;
	[tilespmem:$0x11000] =	vst v63  }
0x7f: {  	s4 =	rddreg [dreg:$0x11];
	s1 =	simm.s32 @!p0 $0x7  }
0x80: {  	[tilespmem:s4], [sflag:$0x2] =	stream.indirect_vreg.gather [hbm4b:s2+s3], $0x80, v3, vm0, $0xb8;
	[tilespmem:$0x11000] =	vst v63  }
0x81: {  	_ =	swait.ge @!p0 [sflag:s1], $0x4000  }
0x82: {  	[sflag:s1] =	ssyncset.done @!p0 $0x0  }
0x83: {  	[sflag:s1] =	ssyncadd.s32 @!p0 $0xFFFFC000  }
0x84: {  	v3 =	vld [tilespmem:s31+$0x0];
	_ =	sdelay $0x4  }
0x85: {  	v56 =	vshll.u32 v3, $0x1  }
0x86: {  	v3 =	vand.u32 $0x7, v3;
	v4 =	vand.u32 $0xFFFFFFF0, v56  }
0x87: {  	v3 =	vor.u32 v3, v4  }
0x88: {  	v4 =	vperm.xlane v3, v0;
	_ =	sdelay $0x1  }
0x89: {  	v3 =	vperm.xlane v3, v2;
	v4 =	vadd.s32 v1, v4;
	_ =	sdelay $0x1  }
0x8a: {  	v3 =	vadd.s32 v1, v3;
	_ =	sdelay $0x2  }
0x8b: {  	[tilespmem:s9], [sflag:$0x3] =	stream.indirect_vreg.gather [hbm4b:s2+s3], $0x80, v4, vm0, $0xb8;
	[tilespmem:$0x11000] =	vst v63  }
0x8c: {  	s4 =	rddreg [dreg:$0x12]  }
0x8d: {  	[tilespmem:s4], [sflag:$0x3] =	stream.indirect_vreg.gather [hbm4b:s2+s3], $0x80, v3, vm0, $0xb8;
	[tilespmem:$0x11000] =	vst v63  }
0x8e: {  	v3 =	vld [tilespmem:s31+$0x10];
	_ =	sdelay $0x4  }
0x8f: {  	v57 =	vshll.u32 v3, $0x1  }
0x90: {  	v3 =	vand.u32 $0x7, v3;
	v4 =	vand.u32 $0xFFFFFFF0, v57  }
0x91: {  	v3 =	vor.u32 v3, v4  }
0x92: {  	v4 =	vperm.xlane v3, v0;
	_ =	sdelay $0x1  }
0x93: {  	v3 =	vperm.xlane v3, v2;
	v4 =	vadd.s32 v1, v4;
	_ =	sdelay $0x1  }
0x94: {  	v3 =	vadd.s32 v1, v3;
	_ =	sdelay $0x1  }
0x95: {  	s1 =	rddreg [dreg:$0x13]  }
0x96: {  	[tilespmem:s1], [sflag:$0x3] =	stream.indirect_vreg.gather [hbm4b:s2+s3], $0x80, v4, vm0, $0xb8;
	[tilespmem:$0x11000] =	vst v63  }
0x97: {  	s4 =	rddreg [dreg:$0x14]  }
0x98: {  	[tilespmem:s4], [sflag:$0x3] =	stream.indirect_vreg.gather [hbm4b:s2+s3], $0x80, v3, vm0, $0xb8;
	[tilespmem:$0x11000] =	vst v63  }
0x99: {  	v3 =	vld [tilespmem:s31+$0x20];
	_ =	sdelay $0x4  }
0x9a: {  	v58 =	vshll.u32 v3, $0x1  }
0x9b: {  	v3 =	vand.u32 $0x7, v3;
	v4 =	vand.u32 $0xFFFFFFF0, v58  }
0x9c: {  	v3 =	vor.u32 v3, v4  }
0x9d: {  	v4 =	vperm.xlane v3, v0;
	_ =	sdelay $0x1  }
0x9e: {  	v3 =	vperm.xlane v3, v2;
	v4 =	vadd.s32 v1, v4;
	_ =	sdelay $0x1  }
0x9f: {  	v3 =	vadd.s32 v1, v3;
	_ =	sdelay $0x1  }
0xa0: {  	s4 =	rddreg [dreg:$0x15]  }
0xa1: {  	[tilespmem:s4], [sflag:$0x3] =	stream.indirect_vreg.gather [hbm4b:s2+s3], $0x80, v4, vm0, $0xb8;
	[tilespmem:$0x11000] =	vst v63  }
0xa2: {  	_ = 	snop  }
0xa3: {  	[tilespmem:s10], [sflag:$0x3] =	stream.indirect_vreg.gather [hbm4b:s2+s3], $0x80, v3, vm0, $0xb8;
	[tilespmem:$0x11000] =	vst v63  }
0xa4: {  	v3 =	vld [tilespmem:s31+$0x30];
	_ =	sdelay $0x4  }
0xa5: {  	v59 =	vshll.u32 v3, $0x1  }
0xa6: {  	v3 =	vand.u32 $0x7, v3;
	v4 =	vand.u32 $0xFFFFFFF0, v59  }
0xa7: {  	v3 =	vor.u32 v3, v4  }
0xa8: {  	v4 =	vperm.xlane v3, v0;
	_ =	sdelay $0x1  }
0xa9: {  	v3 =	vperm.xlane v3, v2;
	v4 =	vadd.s32 v1, v4;
	_ =	sdelay $0x1  }
0xaa: {  	v3 =	vadd.s32 v1, v3;
	_ =	sdelay $0x2  }
0xab: {  	[tilespmem:s11], [sflag:$0x3] =	stream.indirect_vreg.gather [hbm4b:s2+s3], $0x80, v4, vm0, $0xb8;
	[tilespmem:$0x11000] =	vst v63  }
0xac: {  	s1 =	simm.s32 @!p0 $0x8  }
0xad: {  	[tilespmem:s12], [sflag:$0x3] =	stream.indirect_vreg.gather [hbm4b:s2+s3], $0x80, v3, vm0, $0xb8;
	[tilespmem:$0x11000] =	vst v63  }
0xae: {  	_ =	swait.ge @!p0 [sflag:s1], $0x4000  }
0xaf: {  	[sflag:s1] =	ssyncset.done @!p0 $0x0  }
0xb0: {  	[sflag:s1] =	ssyncadd.s32 @!p0 $0xFFFFC000  }
0xb1: {  	v3 =	vld [tilespmem:s31+$0x40];
	_ =	sdelay $0x4  }
0xb2: {  	v60 =	vshll.u32 v3, $0x1  }
0xb3: {  	v3 =	vand.u32 $0x7, v3;
	v4 =	vand.u32 $0xFFFFFFF0, v60  }
0xb4: {  	v3 =	vor.u32 v3, v4  }
0xb5: {  	v4 =	vperm.xlane v3, v0;
	_ =	sdelay $0x1  }
0xb6: {  	v3 =	vperm.xlane v3, v2;
	v4 =	vadd.s32 v1, v4;
	_ =	sdelay $0x1  }
0xb7: {  	v3 =	vadd.s32 v1, v3;
	_ =	sdelay $0x2  }
0xb8: {  	[tilespmem:s13], [sflag:$0x4] =	stream.indirect_vreg.gather [hbm4b:s2+s3], $0x80, v4, vm0, $0xb8;
	[tilespmem:$0x11000] =	vst v63  }
0xb9: {  	_ = 	snop  }
0xba: {  	[tilespmem:s14], [sflag:$0x4] =	stream.indirect_vreg.gather [hbm4b:s2+s3], $0x80, v3, vm0, $0xb8;
	[tilespmem:$0x11000] =	vst v63  }
0xbb: {  	v3 =	vld [tilespmem:s31+$0x50];
	_ =	sdelay $0x4  }
0xbc: {  	v61 =	vshll.u32 v3, $0x1  }
0xbd: {  	v3 =	vand.u32 $0x7, v3;
	v4 =	vand.u32 $0xFFFFFFF0, v61  }
0xbe: {  	v3 =	vor.u32 v3, v4  }
0xbf: {  	v4 =	vperm.xlane v3, v0;
	_ =	sdelay $0x1  }
0xc0: {  	v3 =	vperm.xlane v3, v2;
	v4 =	vadd.s32 v1, v4;
	_ =	sdelay $0x1  }
0xc1: {  	v3 =	vadd.s32 v1, v3;
	_ =	sdelay $0x2  }
0xc2: {  	[tilespmem:s15], [sflag:$0x4] =	stream.indirect_vreg.gather [hbm4b:s2+s3], $0x80, v4, vm0, $0xb8;
	[tilespmem:$0x11000] =	vst v63  }
0xc3: {  	_ = 	snop  }
0xc4: {  	[tilespmem:s16], [sflag:$0x4] =	stream.indirect_vreg.gather [hbm4b:s2+s3], $0x80, v3, vm0, $0xb8;
	[tilespmem:$0x11000] =	vst v63  }
0xc5: {  	v3 =	vld [tilespmem:s31+$0x60];
	_ =	sdelay $0x4  }
0xc6: {  	v62 =	vshll.u32 v3, $0x1  }
0xc7: {  	v3 =	vand.u32 $0x7, v3;
	v4 =	vand.u32 $0xFFFFFFF0, v62  }
0xc8: {  	v3 =	vor.u32 v3, v4  }
0xc9: {  	v4 =	vperm.xlane v3, v0;
	_ =	sdelay $0x1  }
0xca: {  	v3 =	vperm.xlane v3, v2;
	v4 =	vadd.s32 v1, v4;
	_ =	sdelay $0x1  }
0xcb: {  	v3 =	vadd.s32 v1, v3;
	_ =	sdelay $0x2  }
0xcc: {  	[tilespmem:s17], [sflag:$0x4] =	stream.indirect_vreg.gather [hbm4b:s2+s3], $0x80, v4, vm0, $0xb8;
	[tilespmem:$0x11000] =	vst v63  }
0xcd: {  	_ = 	snop  }
0xce: {  	[tilespmem:s18], [sflag:$0x4] =	stream.indirect_vreg.gather [hbm4b:s2+s3], $0x80, v3, vm0, $0xb8;
	[tilespmem:$0x11000] =	vst v63  }
0xcf: {  	v3 =	vld [tilespmem:s31+$0x70];
	_ =	sdelay $0x4  }
0xd0: {  	v63 =	vshll.u32 v3, $0x1  }
0xd1: {  	v3 =	vand.u32 $0x7, v3;
	v4 =	vand.u32 $0xFFFFFFF0, v63  }
0xd2: {  	v3 =	vor.u32 v3, v4  }
0xd3: {  	v4 =	vperm.xlane v3, v0;
	_ =	sdelay $0x1  }
0xd4: {  	v3 =	vperm.xlane v3, v2;
	v4 =	vadd.s32 v1, v4;
	_ =	sdelay $0x1  }
0xd5: {  	v3 =	vadd.s32 v1, v3;
	_ =	sdelay $0x2  }
0xd6: {  	[tilespmem:s19], [sflag:$0x4] =	stream.indirect_vreg.gather [hbm4b:s2+s3], $0x80, v4, vm0, $0xb8;
	[tilespmem:$0x11000] =	vst v63  }
0xd7: {  	_ = 	snop  }
0xd8: {  	[tilespmem:s20], [sflag:$0x4] =	stream.indirect_vreg.gather [hbm4b:s2+s3], $0x80, v3, vm0, $0xb8;
	[tilespmem:$0x11000] =	vst v63  }
0xd9: {  	_ =	swait.ge [sflag:s21], $0x4000  }
0xda: {  	s4 =	rddreg [dreg:$0x3];
	[sflag:s21] =	ssyncset.done $0x0  }
0xdb: {  	[sflag:s21] =	ssyncadd.s32 $0xFFFFC000;
	s1 =	sadd.s32 s0, s4  }
0xdc: {  	[hbm4b:s1+s3] =	stream.linear.scatter [tilespmem:s7], [sflag:$0x5], $0x4000, $0x38;
	[tilespmem:$0x11000] =	vst v63  }
0xdd: {  	_ =	swait.ge [sflag:s22], $0x4000  }
0xde: {  	[sflag:s22] =	ssyncset.done $0x0  }
0xdf: {  	s4 =	sadd.s32 $0x800, s1;
	[sflag:s22] =	ssyncadd.s32 $0xFFFFC000  }
0xe0: {  	[hbm4b:s4+s3] =	stream.linear.scatter [tilespmem:s8], [sflag:$0x6], $0x4000, $0x38;
	[tilespmem:$0x11000] =	vst v63  }
0xe1: {  	_ =	swait.ge [sflag:s23], $0x4000  }
0xe2: {  	s0 =	sadd.s32 $0x2000, s0;
	[sflag:s23] =	ssyncset.done $0x0  }
0xe3: {  	p0 =	sne.s32 s0, $0x20000;
	s4 =	sadd.s32 $0x1000, s1;
	[sflag:s23] =	ssyncadd.s32 $0xFFFFC000  }
0xe4: {  	[hbm4b:s4+s3] =	stream.linear.scatter [tilespmem:s9], [sflag:$0x7], $0x4000, $0x38;
	[tilespmem:$0x11000] =	vst v63  }
.Ltmp0:
0xe5: {  	_ = 	snop;
	(pc) =	sbr.rel @p0 .LBB2_2-.Ltmp0, $4  }
0xe6: {  	_ =	swait.ge [sflag:s24], $0x4000  }
0xe7: {  	[sflag:s24] =	ssyncset.done $0x0  }
0xe8: {  	s31 =	sadd.s32 $0x100, s31;
	s1 =	sadd.s32 $0x1800, s1;
	[sflag:s24] =	ssyncadd.s32 $0xFFFFC000  }
0xe9: {  	[hbm4b:s1+s3] =	stream.linear.scatter [tilespmem:s13], [sflag:$0x8], $0x4000, $0x38;
	[tilespmem:$0x11000] =	vst v63  }
0xea: {  	_ =	swait.ge [sflag:s25], $0x4000  }
0xeb: {  	[sflag:s25] =	ssyncset.done $0x0  }
0xec: {  	[sflag:s25] =	ssyncadd.s32 $0xFFFFC000  }
0xed: {  	_ =	swait.ge [sflag:s26], $0x4000  }
0xee: {  	[sflag:s26] =	ssyncset.done $0x0  }
0xef: {  	s30 =	sadd.s32 $0x1, s30;
	[sflag:s26] =	ssyncadd.s32 $0xFFFFC000  }
0xf0: {  	p0 =	sne.s32 s30, s5;
	_ =	swait.ge [sflag:s28], $0x4000  }
.Ltmp1:
0xf1: {  	[sflag:s28] =	ssyncset.done $0x0;
	(pc) =	sbr.rel @p0 .LBB2_1-.Ltmp1, $4  }
0xf2: {  	[sflag:s28] =	ssyncadd.s32 $0xFFFFC000  }
0xf3: {  	_ =	swait.ge [sflag:s29], $0x4000  }
0xf4: {  	[sflag:s29] =	ssyncset.done $0x0  }
0xf5: {  	[sflag:s29] =	ssyncadd.s32 $0xFFFFC000  }
0xf6: {  	_ =	sfence.sel $0x180000  }
0xf7: {  	[bflag:$0x0] =	sbarrier.arrive $0xFFFF  }
0xf8: {  	_ =	strace $0x90000047  }
0xf9: {  	s0 =	stileid.u32;
	[bflag:$0x2] =	sbarrier.arrive $0xFFFF  }
0xfa: {  	p0 =	sne.s32 s0, $0x0;
	s0 =	rddreg [dreg:$0x2]  }
0xfb: {  	s0 =	sadd.s32 @!p0 $0x100000, s0  }
0xfc: {  	[sflag:s0] =	ssyncadd.tile.s32 @!p0 $0x1;
	_ =	shalt  }
.Lfunc_end2:
_tile_overlayer_lowered:
.L_overlay_start_2:
0xfd: {  	(tag) =	ssettag $0x2  }
0xfe: {  	s0 =	rddreg [dreg:$0x0];
	s2 =	stileid.u32  }
0xff: {  	s1 =	rddreg [dreg:$0x1];
	p0 =	sne.s32 s2, $0x0  }
0x100: {  	s3 =	rddreg [dreg:$0x2];
	[bflag:$0x3] =	sbarrier.arrive $0xFFFF;
	s2 =	simm.s32 @!p0 $0x1C09  }
0x101: {  	[timem:s3], [sflag:s2] =	dma.local @!p0 [hbm:s0], s1  }
0x102: {  	s0 =	simm.s32 @!p0 $0x9  }
0x103: {  	_ =	swait.ge @!p0 [sflag:s0], s1  }
0x104: {  	s1 =	ssub.s32 @!p0 $0x0, s1;
	[sflag:s0] =	ssyncset.done @!p0 $0x0  }
0x105: {  	[sflag:s0] =	ssyncadd.s32 @!p0 s1  }
0x106: {  	[bflag:$0x3] =	sbarrier.arrive $0xFFFF  }
0x107: {  	_ =	shalt  }

</sc_bundles>
